<compile_context>
chip_gen: v7x
topology: tpu7x:2x2x1
jax: 0.10.2.dev20260603
libtpu: 0.0.44.dev20260713+nightly
codegen_flags: <defaults>
</compile_context>

<pallas_src>
import jax
import jax.numpy as jnp
from jax import lax
from jax.experimental import pallas as pl
from jax.experimental.pallas import tpu as pltpu
from jax.experimental.pallas import tpu_sc as plsc

_NC = 2
_NS = 16
_NW = _NC * _NS
_G = 16
_NB = 2
_BS = 512


def _sc_route(vtab, idx3, ov, idx_v, buf, gsem, wsem):
    nch = idx_v.shape[0]
    wid = lax.axis_index("s") * _NC + lax.axis_index("c")
    base = wid * (nch * _G)
    pltpu.sync_copy(idx3.at[wid], idx_v)

    pend_g = {}
    pend_s = {}

    def start_gather(c):
        g = pltpu.make_async_copy(
            vtab.at[idx_v.at[c]], buf.at[c % _NB], gsem.at[c % _NB]
        )
        g.start()
        pend_g[c] = g

    def start_scatter(c):
        pend_g[c].wait()
        s = pltpu.make_async_copy(
            buf.at[c % _NB], ov.at[pl.ds(base + c * _G, _G)], wsem.at[c % _NB]
        )
        s.start()
        pend_s[c] = s

    for c in range(nch):
        if c >= _NB:
            pend_s[c - _NB].wait()
        start_gather(c)
        if c >= 1:
            start_scatter(c - 1)
    start_scatter(nch - 1)
    for c in range(max(0, nch - _NB), nch):
        pend_s[c].wait()


def _tc_route(bidx_ref, k_ref, ok_ref):
    del bidx_ref
    ok_ref[...] = k_ref[...]


def kernel(key, value, attention, target_len, query_param, Wq, Wk):
    del attention, query_param, Wq, Wk
    bsz, seq_len, num_heads, head_dim = key.shape
    rows = bsz * seq_len

    perm = jax.random.permutation(jax.random.key(42), seq_len)
    token_indices = perm + (jnp.asarray(target_len, dtype=perm.dtype) - seq_len)
    topk_indices = jnp.sort(token_indices)

    row_idx = (jnp.arange(bsz, dtype=jnp.int32)[:, None] * seq_len
               + topk_indices[None, :].astype(jnp.int32)).reshape(rows)
    rows_per_w = rows // _NW
    nch = rows_per_w // _G
    idx3 = row_idx.reshape(_NW, nch, _G)
    vtab = value.reshape(rows, num_heads, head_dim)

    sc_run = pl.kernel(
        _sc_route,
        out_type=jax.ShapeDtypeStruct((rows, num_heads, head_dim), value.dtype),
        mesh=plsc.VectorSubcoreMesh(core_axis_name="c", subcore_axis_name="s"),
        scratch_types=[
            pltpu.VMEM((nch, _G), jnp.int32),
            pltpu.VMEM((_NB, _G, num_heads, head_dim), jnp.float32),
            pltpu.SemaphoreType.DMA((_NB,)),
            pltpu.SemaphoreType.DMA((_NB,)),
        ],
    )
    out_v = sc_run(vtab, idx3)

    nblk = seq_len // _BS
    block_idx = topk_indices[:: _BS] // _BS

    def in_map(b, i, sidx_ref):
        return (b, sidx_ref[i], 0, 0)

    def out_map(b, i, sidx_ref):
        del sidx_ref
        return (b, i, 0, 0)

    blk = (1, _BS, num_heads, head_dim)
    out_k = pl.pallas_call(
        _tc_route,
        grid_spec=pltpu.PrefetchScalarGridSpec(
            num_scalar_prefetch=1,
            grid=(bsz, nblk),
            in_specs=[pl.BlockSpec(blk, in_map)],
            out_specs=pl.BlockSpec(blk, out_map),
        ),
        out_shape=jax.ShapeDtypeStruct(key.shape, key.dtype),
    )(block_idx, key)

    return (out_k, out_v.reshape(value.shape))

# --- scband reference (transcript-rebuilt; emitter-appended) ---
"""Pipeline reference for scband-perceiver-pruner-layer-9680856285609 (READ-ONLY COPY).

The authoritative reference and input builder live on the scoring server;
editing this copy changes nothing except your own understanding.
"""

import jax, jax.numpy as jnp
import numpy as np

QUERY_LEN = 64
COMPRESSED_CHUNK_SIZE = 64
D_QUERY = 1024
D_MODEL = 2048
CHUNK_SIZE = 64
TEMPERATURE = 1.0


def setup_inputs() -> dict:
    rng = jax.random.key(0)
    k1, k2, k3, k4, k5, k6 = jax.random.split(rng, 6)
    bsz, seq_len, num_heads, head_dim = 2, 4096, 16, 128
    return {
        "key": jax.random.normal(k1, (bsz, seq_len, num_heads, head_dim), dtype=jnp.float32),
        "value": jax.random.normal(k2, (bsz, seq_len, num_heads, head_dim), dtype=jnp.float32),
        "attention": jax.random.uniform(k3, (bsz, num_heads, QUERY_LEN, seq_len), dtype=jnp.float32),
        "target_len": 4096,
        "query_param": jax.random.normal(k4, (QUERY_LEN, D_QUERY), dtype=jnp.float32),
        "Wq": jax.random.normal(k5, (D_QUERY, D_QUERY), dtype=jnp.float32) * (1.0 / np.sqrt(D_QUERY)),
        "Wk": jax.random.normal(k6, (D_QUERY, D_MODEL), dtype=jnp.float32) * (1.0 / np.sqrt(D_MODEL)),
    }


def _get_attention_scores(key, query_param, Wq, Wk):
    bsz, seq_len, num_heads, head_dim = key.shape
    query_len = QUERY_LEN  # compressed_chunk_size == query_len, so full query is always used
    query = jnp.broadcast_to(query_param[None, :, :], (bsz, query_len, D_QUERY))
    projected_query = query @ Wq.T
    projected_key = key.reshape(bsz, seq_len, -1) @ Wk.T
    q_heads = projected_query.reshape(bsz, query_len, num_heads, -1)
    k_heads = projected_key.reshape(bsz, seq_len, num_heads, -1)
    logits = jnp.einsum('bqhd,bkhd->bhqk', q_heads, k_heads)
    attention_scores = jax.nn.softmax(logits / TEMPERATURE, axis=-1)
    return attention_scores


def reference(key, value, attention, target_len, query_param, Wq, Wk):
    bsz, seq_len, num_heads, head_dim = key.shape
    attention_scores = _get_attention_scores(key, query_param, Wq, Wk)
    # get_random_indices with segment_size=1: random.sample(range(seq_len), target_len).
    # With target_len == seq_len this is a permutation of arange(seq_len).
    static_target_len = seq_len
    perm = jax.random.permutation(jax.random.key(42), seq_len)
    token_indices = jnp.broadcast_to(perm[None, None, :], (bsz, num_heads, static_target_len))
    token_indices = token_indices + (jnp.asarray(target_len, dtype=token_indices.dtype) - seq_len)
    topk_probs = None
    # sort indices (after sorting a full permutation this equals arange(seq_len))
    topk_indices = jnp.sort(token_indices, axis=-1)
    idx = jnp.broadcast_to(topk_indices[:, :, :, None], (bsz, num_heads, static_target_len, head_dim))
    idx = jnp.transpose(idx, (0, 2, 1, 3))  # [bsz, target_len, num_heads, head_dim]
    selected_keys = jnp.take_along_axis(key, idx, axis=1)
    selected_values = jnp.take_along_axis(value, idx, axis=1)
    # mse_loss side effect (stored on module in torch, not returned)
    target_scores = attention[:, :, -CHUNK_SIZE:, :].mean(axis=2)
    model_scores = attention_scores.mean(axis=2)
    mse_loss = jnp.mean((attention.shape[-1] * (target_scores - model_scores)) ** 2)
    _ = mse_loss
    return (selected_keys, selected_values)

if __name__ == "__main__":
    import jax
    _d = setup_inputs()
    print(jax.jit(kernel)(*tuple(_d.values())))

</pallas_src>

<mosaic_0001>
#map = affine_map<(d0, d1) -> (0, 0, 0)>
module attributes {stable_mosaic.version = 14 : i64} {
  func.func @_sc_route(%arg0: i32, %arg1: i32, %arg2: memref<8192x16x128xf32, #tpu.memory_space<hbm>>, %arg3: memref<32x16x16xi32, #tpu.memory_space<hbm>>, %arg4: memref<8192x16x128xf32, #tpu.memory_space<hbm>>, %arg5: memref<16x16xi32, #tpu.memory_space<vmem>>, %arg6: memref<2x16x16x128xf32, #tpu.memory_space<vmem>>, %arg7: memref<2x!tpu.dma_semaphore, #tpu.memory_space<semaphore_mem>>, %arg8: memref<2x!tpu.dma_semaphore, #tpu.memory_space<semaphore_mem>>) attributes {dimension_semantics = [#tpu.dimension_semantics<core_parallel>, #tpu.dimension_semantics<subcore_parallel>], iteration_bounds = array<i64: 2, 16>, scalar_prefetch = 0 : i64, scratch_operands = 4 : i64, tpu.core_type = #tpu.core_type<sc_vector_subcore>, window_params = [{transform_indices = #map}, {transform_indices = #map}, {transform_indices = #map}]} {
    %mul3A = arith.constant 2 : i32
    %mul3A_0 = arith.muli %arg1, %mul3A : i32
    %add3A = arith.addi %mul3A_0, %arg0 : i32
    %mul3A_1 = arith.constant 256 : i32
    %mul3A_2 = arith.muli %add3A, %mul3A_1 : i32
    "tpu.region"() ({
      %run_scoped3A = tpu.sem_alloc : memref<!tpu.dma_semaphore, #tpu.memory_space<semaphore_mem>>
      %dma_start3A_1217 = arith.constant 0 : i32
      %dma_start3A_1218 = arith.constant 0 : i32
      %dma_start3A_1219 = tpu.memref_slice %arg3[%add3A, %dma_start3A_1217, %dma_start3A_1218] : memref<32x16x16xi32, #tpu.memory_space<hbm>> -> memref<1x16x16xi32, #tpu.memory_space<hbm>>
      %dma_start3A_1220 = tpu.memref_squeeze %dma_start3A_1219 : memref<1x16x16xi32, #tpu.memory_space<hbm>> -> memref<16x16xi32, #tpu.memory_space<hbm>>
      %dma_start3A_1221 = arith.constant 0 : i32
      %dma_start3A_1222 = arith.constant 0 : i32
      %dma_start3A_1223 = tpu.memref_slice %arg3[%add3A, %dma_start3A_1221, %dma_start3A_1222] : memref<32x16x16xi32, #tpu.memory_space<hbm>> -> memref<1x16x16xi32, #tpu.memory_space<hbm>>
      %dma_start3A_1224 = tpu.memref_squeeze %dma_start3A_1223 : memref<1x16x16xi32, #tpu.memory_space<hbm>> -> memref<16x16xi32, #tpu.memory_space<hbm>>
      tpu.enqueue_dma source(%dma_start3A_1224 : memref<16x16xi32, #tpu.memory_space<hbm>>) target(%arg5 : memref<16x16xi32, #tpu.memory_space<vmem>>) target_semaphore(%run_scoped3A : memref<!tpu.dma_semaphore, #tpu.memory_space<semaphore_mem>>)
      %dma_wait3A_1225 = arith.constant 0 : i32
      %dma_wait3A_1226 = arith.constant 0 : i32
      %dma_wait3A_1227 = tpu.memref_slice %arg3[%add3A, %dma_wait3A_1225, %dma_wait3A_1226] : memref<32x16x16xi32, #tpu.memory_space<hbm>> -> memref<1x16x16xi32, #tpu.memory_space<hbm>>
      %dma_wait3A_1228 = tpu.memref_squeeze %dma_wait3A_1227 : memref<1x16x16xi32, #tpu.memory_space<hbm>> -> memref<16x16xi32, #tpu.memory_space<hbm>>
      %dma_wait3A_1229 = arith.constant 0 : i32
      %dma_wait3A_1230 = arith.constant 0 : i32
      %dma_wait3A_1231 = tpu.memref_slice %arg3[%add3A, %dma_wait3A_1229, %dma_wait3A_1230] : memref<32x16x16xi32, #tpu.memory_space<hbm>> -> memref<1x16x16xi32, #tpu.memory_space<hbm>>
      %dma_wait3A_1232 = tpu.memref_squeeze %dma_wait3A_1231 : memref<1x16x16xi32, #tpu.memory_space<hbm>> -> memref<16x16xi32, #tpu.memory_space<hbm>>
      tpu.wait_dma2 semaphore(%run_scoped3A : memref<!tpu.dma_semaphore, #tpu.memory_space<semaphore_mem>>) src(%dma_wait3A_1232 : memref<16x16xi32, #tpu.memory_space<hbm>>) dst(%arg5 : memref<16x16xi32, #tpu.memory_space<vmem>>)
      tpu.yield
    }) : () -> ()
    %dma_start3A = arith.constant 0 : i32
    %dma_start3A_3 = arith.constant 0 : i32
    %dma_start3A_4 = arith.constant 0 : i32
    %dma_start3A_5 = arith.constant 0 : i32
    %dma_start3A_6 = arith.constant 0 : i32
    %dma_start3A_7 = arith.constant 0 : i32
    %dma_start3A_8 = tpu.memref_slice %arg6[%dma_start3A_3, %dma_start3A_5, %dma_start3A_6, %dma_start3A_7] : memref<2x16x16x128xf32, #tpu.memory_space<vmem>> -> memref<1x16x16x128xf32, #tpu.memory_space<vmem>>
    %dma_start3A_9 = tpu.memref_squeeze %dma_start3A_8 : memref<1x16x16x128xf32, #tpu.memory_space<vmem>> -> memref<16x16x128xf32, #tpu.memory_space<vmem>>
    %dma_start3A_10 = arith.constant 0 : i32
    %dma_start3A_11 = tpu.memref_slice %arg5[%dma_start3A, %dma_start3A_10] : memref<16x16xi32, #tpu.memory_space<vmem>> -> memref<1x16xi32, #tpu.memory_space<vmem>>
    %dma_start3A_12 = tpu.memref_squeeze %dma_start3A_11 : memref<1x16xi32, #tpu.memory_space<vmem>> -> memref<16xi32, #tpu.memory_space<vmem>>
    %dma_start3A_13 = arith.constant 0 : i32
    %dma_start3A_14 = arith.constant 0 : i32
    %dma_start3A_15 = arith.constant 0 : i32
    %dma_start3A_16 = tpu.memref_slice %arg2[%dma_start3A_13, %dma_start3A_14, %dma_start3A_15] : memref<8192x16x128xf32, #tpu.memory_space<hbm>> -> memref<8192x16x128xf32, #tpu.memory_space<hbm>>
    %dma_start3A_17 = tpu.memref_slice %arg7[%dma_start3A_4] : memref<2x!tpu.dma_semaphore, #tpu.memory_space<semaphore_mem>> -> memref<1x!tpu.dma_semaphore, #tpu.memory_space<semaphore_mem>>
    %dma_start3A_18 = tpu.memref_squeeze %dma_start3A_17 : memref<1x!tpu.dma_semaphore, #tpu.memory_space<semaphore_mem>> -> memref<!tpu.dma_semaphore, #tpu.memory_space<semaphore_mem>>
    tpu.enqueue_indirect_dma source(%dma_start3A_16 : memref<8192x16x128xf32, #tpu.memory_space<hbm>>) target(%dma_start3A_9 : memref<16x16x128xf32, #tpu.memory_space<vmem>>) offsets(%dma_start3A_12 : memref<16xi32, #tpu.memory_space<vmem>>) semaphore(%dma_start3A_18 : memref<!tpu.dma_semaphore, #tpu.memory_space<semaphore_mem>>)
    %dma_start3A_19 = arith.constant 1 : i32
    %dma_start3A_20 = arith.constant 1 : i32
    %dma_start3A_21 = arith.constant 1 : i32
    %dma_start3A_22 = arith.constant 0 : i32
    %dma_start3A_23 = arith.constant 0 : i32
    %dma_start3A_24 = arith.constant 0 : i32
    %dma_start3A_25 = tpu.memref_slice %arg6[%dma_start3A_20, %dma_start3A_22, %dma_start3A_23, %dma_start3A_24] : memref<2x16x16x128xf32, #tpu.memory_space<vmem>> -> memref<1x16x16x128xf32, #tpu.memory_space<vmem>>
    %dma_start3A_26 = tpu.memref_squeeze %dma_start3A_25 : memref<1x16x16x128xf32, #tpu.memory_space<vmem>> -> memref<16x16x128xf32, #tpu.memory_space<vmem>>
    %dma_start3A_27 = arith.constant 0 : i32
    %dma_start3A_28 = tpu.memref_slice %arg5[%dma_start3A_19, %dma_start3A_27] : memref<16x16xi32, #tpu.memory_space<vmem>> -> memref<1x16xi32, #tpu.memory_space<vmem>>
    %dma_start3A_29 = tpu.memref_squeeze %dma_start3A_28 : memref<1x16xi32, #tpu.memory_space<vmem>> -> memref<16xi32, #tpu.memory_space<vmem>>
    %dma_start3A_30 = arith.constant 0 : i32
    %dma_start3A_31 = arith.constant 0 : i32
    %dma_start3A_32 = arith.constant 0 : i32
    %dma_start3A_33 = tpu.memref_slice %arg2[%dma_start3A_30, %dma_start3A_31, %dma_start3A_32] : memref<8192x16x128xf32, #tpu.memory_space<hbm>> -> memref<8192x16x128xf32, #tpu.memory_space<hbm>>
    %dma_start3A_34 = tpu.memref_slice %arg7[%dma_start3A_21] : memref<2x!tpu.dma_semaphore, #tpu.memory_space<semaphore_mem>> -> memref<1x!tpu.dma_semaphore, #tpu.memory_space<semaphore_mem>>
    %dma_start3A_35 = tpu.memref_squeeze %dma_start3A_34 : memref<1x!tpu.dma_semaphore, #tpu.memory_space<semaphore_mem>> -> memref<!tpu.dma_semaphore, #tpu.memory_space<semaphore_mem>>
    tpu.enqueue_indirect_dma source(%dma_start3A_33 : memref<8192x16x128xf32, #tpu.memory_space<hbm>>) target(%dma_start3A_26 : memref<16x16x128xf32, #tpu.memory_space<vmem>>) offsets(%dma_start3A_29 : memref<16xi32, #tpu.memory_space<vmem>>) semaphore(%dma_start3A_35 : memref<!tpu.dma_semaphore, #tpu.memory_space<semaphore_mem>>)
    %dma_wait3A = arith.constant 0 : i32
    %dma_wait3A_36 = arith.constant 0 : i32
    %dma_wait3A_37 = arith.constant 0 : i32
    %dma_wait3A_38 = arith.constant 0 : i32
    %dma_wait3A_39 = arith.constant 0 : i32
    %dma_wait3A_40 = arith.constant 0 : i32
    %dma_wait3A_41 = tpu.memref_slice %arg6[%dma_wait3A_36, %dma_wait3A_38, %dma_wait3A_39, %dma_wait3A_40] : memref<2x16x16x128xf32, #tpu.memory_space<vmem>> -> memref<1x16x16x128xf32, #tpu.memory_space<vmem>>
    %dma_wait3A_42 = tpu.memref_squeeze %dma_wait3A_41 : memref<1x16x16x128xf32, #tpu.memory_space<vmem>> -> memref<16x16x128xf32, #tpu.memory_space<vmem>>
    %dma_wait3A_43 = arith.constant 0 : i32
    %dma_wait3A_44 = tpu.memref_slice %arg5[%dma_wait3A, %dma_wait3A_43] : memref<16x16xi32, #tpu.memory_space<vmem>> -> memref<1x16xi32, #tpu.memory_space<vmem>>
    %dma_wait3A_45 = tpu.memref_squeeze %dma_wait3A_44 : memref<1x16xi32, #tpu.memory_space<vmem>> -> memref<16xi32, #tpu.memory_space<vmem>>
    %dma_wait3A_46 = arith.constant 0 : i32
    %dma_wait3A_47 = arith.constant 0 : i32
    %dma_wait3A_48 = arith.constant 0 : i32
    %dma_wait3A_49 = tpu.memref_slice %arg2[%dma_wait3A_46, %dma_wait3A_47, %dma_wait3A_48] : memref<8192x16x128xf32, #tpu.memory_space<hbm>> -> memref<8192x16x128xf32, #tpu.memory_space<hbm>>
    %dma_wait3A_50 = tpu.memref_slice %arg7[%dma_wait3A_37] : memref<2x!tpu.dma_semaphore, #tpu.memory_space<semaphore_mem>> -> memref<1x!tpu.dma_semaphore, #tpu.memory_space<semaphore_mem>>
    %dma_wait3A_51 = tpu.memref_squeeze %dma_wait3A_50 : memref<1x!tpu.dma_semaphore, #tpu.memory_space<semaphore_mem>> -> memref<!tpu.dma_semaphore, #tpu.memory_space<semaphore_mem>>
    tpu.wait_indirect_dma semaphore(%dma_wait3A_51 : memref<!tpu.dma_semaphore, #tpu.memory_space<semaphore_mem>>) src(%dma_wait3A_49 : memref<8192x16x128xf32, #tpu.memory_space<hbm>>) dst(%dma_wait3A_42 : memref<16x16x128xf32, #tpu.memory_space<vmem>>)
    %add3A_52 = arith.constant 0 : i32
    %add3A_53 = arith.addi %mul3A_2, %add3A_52 : i32
    %dma_start3A_54 = arith.constant 0 : i32
    %dma_start3A_55 = arith.constant 0 : i32
    %dma_start3A_56 = arith.constant 0 : i32
    %dma_start3A_57 = arith.constant 0 : i32
    %dma_start3A_58 = arith.constant 0 : i32
    %dma_start3A_59 = tpu.memref_slice %arg6[%dma_start3A_54, %dma_start3A_56, %dma_start3A_57, %dma_start3A_58] : memref<2x16x16x128xf32, #tpu.memory_space<vmem>> -> memref<1x16x16x128xf32, #tpu.memory_space<vmem>>
    %dma_start3A_60 = tpu.memref_squeeze %dma_start3A_59 : memref<1x16x16x128xf32, #tpu.memory_space<vmem>> -> memref<16x16x128xf32, #tpu.memory_space<vmem>>
    %dma_start3A_61 = arith.constant 0 : i32
    %dma_start3A_62 = arith.constant 0 : i32
    %dma_start3A_63 = tpu.memref_slice %arg4[%add3A_53, %dma_start3A_61, %dma_start3A_62] : memref<8192x16x128xf32, #tpu.memory_space<hbm>> -> memref<16x16x128xf32, #tpu.memory_space<hbm>>
    %dma_start3A_64 = tpu.memref_slice %arg8[%dma_start3A_55] : memref<2x!tpu.dma_semaphore, #tpu.memory_space<semaphore_mem>> -> memref<1x!tpu.dma_semaphore, #tpu.memory_space<semaphore_mem>>
    %dma_start3A_65 = tpu.memref_squeeze %dma_start3A_64 : memref<1x!tpu.dma_semaphore, #tpu.memory_space<semaphore_mem>> -> memref<!tpu.dma_semaphore, #tpu.memory_space<semaphore_mem>>
    %dma_start3A_66 = arith.constant 0 : i32
    %dma_start3A_67 = arith.constant 0 : i32
    %dma_start3A_68 = tpu.memref_slice %arg4[%add3A_53, %dma_start3A_66, %dma_start3A_67] : memref<8192x16x128xf32, #tpu.memory_space<hbm>> -> memref<16x16x128xf32, #tpu.memory_space<hbm>>
    %dma_start3A_69 = arith.constant 0 : i32
    %dma_start3A_70 = arith.constant 0 : i32
    %dma_start3A_71 = arith.constant 0 : i32
    %dma_start3A_72 = tpu.memref_slice %arg6[%dma_start3A_54, %dma_start3A_69, %dma_start3A_70, %dma_start3A_71] : memref<2x16x16x128xf32, #tpu.memory_space<vmem>> -> memref<1x16x16x128xf32, #tpu.memory_space<vmem>>
    %dma_start3A_73 = tpu.memref_squeeze %dma_start3A_72 : memref<1x16x16x128xf32, #tpu.memory_space<vmem>> -> memref<16x16x128xf32, #tpu.memory_space<vmem>>
    tpu.enqueue_dma source(%dma_start3A_73 : memref<16x16x128xf32, #tpu.memory_space<vmem>>) target(%dma_start3A_68 : memref<16x16x128xf32, #tpu.memory_space<hbm>>) target_semaphore(%dma_start3A_65 : memref<!tpu.dma_semaphore, #tpu.memory_space<semaphore_mem>>)
    %dma_wait3A_74 = arith.constant 0 : i32
    %dma_wait3A_75 = arith.constant 0 : i32
    %dma_wait3A_76 = arith.constant 0 : i32
    %dma_wait3A_77 = arith.constant 0 : i32
    %dma_wait3A_78 = arith.constant 0 : i32
    %dma_wait3A_79 = tpu.memref_slice %arg6[%dma_wait3A_74, %dma_wait3A_76, %dma_wait3A_77, %dma_wait3A_78] : memref<2x16x16x128xf32, #tpu.memory_space<vmem>> -> memref<1x16x16x128xf32, #tpu.memory_space<vmem>>
    %dma_wait3A_80 = tpu.memref_squeeze %dma_wait3A_79 : memref<1x16x16x128xf32, #tpu.memory_space<vmem>> -> memref<16x16x128xf32, #tpu.memory_space<vmem>>
    %dma_wait3A_81 = arith.constant 0 : i32
    %dma_wait3A_82 = arith.constant 0 : i32
    %dma_wait3A_83 = tpu.memref_slice %arg4[%add3A_53, %dma_wait3A_81, %dma_wait3A_82] : memref<8192x16x128xf32, #tpu.memory_space<hbm>> -> memref<16x16x128xf32, #tpu.memory_space<hbm>>
    %dma_wait3A_84 = tpu.memref_slice %arg8[%dma_wait3A_75] : memref<2x!tpu.dma_semaphore, #tpu.memory_space<semaphore_mem>> -> memref<1x!tpu.dma_semaphore, #tpu.memory_space<semaphore_mem>>
    %dma_wait3A_85 = tpu.memref_squeeze %dma_wait3A_84 : memref<1x!tpu.dma_semaphore, #tpu.memory_space<semaphore_mem>> -> memref<!tpu.dma_semaphore, #tpu.memory_space<semaphore_mem>>
    %dma_wait3A_86 = arith.constant 0 : i32
    %dma_wait3A_87 = arith.constant 0 : i32
    %dma_wait3A_88 = tpu.memref_slice %arg4[%add3A_53, %dma_wait3A_86, %dma_wait3A_87] : memref<8192x16x128xf32, #tpu.memory_space<hbm>> -> memref<16x16x128xf32, #tpu.memory_space<hbm>>
    %dma_wait3A_89 = arith.constant 0 : i32
    %dma_wait3A_90 = arith.constant 0 : i32
    %dma_wait3A_91 = arith.constant 0 : i32
    %dma_wait3A_92 = tpu.memref_slice %arg6[%dma_wait3A_74, %dma_wait3A_89, %dma_wait3A_90, %dma_wait3A_91] : memref<2x16x16x128xf32, #tpu.memory_space<vmem>> -> memref<1x16x16x128xf32, #tpu.memory_space<vmem>>
    %dma_wait3A_93 = tpu.memref_squeeze %dma_wait3A_92 : memref<1x16x16x128xf32, #tpu.memory_space<vmem>> -> memref<16x16x128xf32, #tpu.memory_space<vmem>>
    tpu.wait_dma2 semaphore(%dma_wait3A_85 : memref<!tpu.dma_semaphore, #tpu.memory_space<semaphore_mem>>) src(%dma_wait3A_93 : memref<16x16x128xf32, #tpu.memory_space<vmem>>) dst(%dma_wait3A_88 : memref<16x16x128xf32, #tpu.memory_space<hbm>>)
    %dma_start3A_94 = arith.constant 2 : i32
    %dma_start3A_95 = arith.constant 0 : i32
    %dma_start3A_96 = arith.constant 0 : i32
    %dma_start3A_97 = arith.constant 0 : i32
    %dma_start3A_98 = arith.constant 0 : i32
    %dma_start3A_99 = arith.constant 0 : i32
    %dma_start3A_100 = tpu.memref_slice %arg6[%dma_start3A_95, %dma_start3A_97, %dma_start3A_98, %dma_start3A_99] : memref<2x16x16x128xf32, #tpu.memory_space<vmem>> -> memref<1x16x16x128xf32, #tpu.memory_space<vmem>>
    %dma_start3A_101 = tpu.memref_squeeze %dma_start3A_100 : memref<1x16x16x128xf32, #tpu.memory_space<vmem>> -> memref<16x16x128xf32, #tpu.memory_space<vmem>>
    %dma_start3A_102 = arith.constant 0 : i32
    %dma_start3A_103 = tpu.memref_slice %arg5[%dma_start3A_94, %dma_start3A_102] : memref<16x16xi32, #tpu.memory_space<vmem>> -> memref<1x16xi32, #tpu.memory_space<vmem>>
    %dma_start3A_104 = tpu.memref_squeeze %dma_start3A_103 : memref<1x16xi32, #tpu.memory_space<vmem>> -> memref<16xi32, #tpu.memory_space<vmem>>
    %dma_start3A_105 = arith.constant 0 : i32
    %dma_start3A_106 = arith.constant 0 : i32
    %dma_start3A_107 = arith.constant 0 : i32
    %dma_start3A_108 = tpu.memref_slice %arg2[%dma_start3A_105, %dma_start3A_106, %dma_start3A_107] : memref<8192x16x128xf32, #tpu.memory_space<hbm>> -> memref<8192x16x128xf32, #tpu.memory_space<hbm>>
    %dma_start3A_109 = tpu.memref_slice %arg7[%dma_start3A_96] : memref<2x!tpu.dma_semaphore, #tpu.memory_space<semaphore_mem>> -> memref<1x!tpu.dma_semaphore, #tpu.memory_space<semaphore_mem>>
    %dma_start3A_110 = tpu.memref_squeeze %dma_start3A_109 : memref<1x!tpu.dma_semaphore, #tpu.memory_space<semaphore_mem>> -> memref<!tpu.dma_semaphore, #tpu.memory_space<semaphore_mem>>
    tpu.enqueue_indirect_dma source(%dma_start3A_108 : memref<8192x16x128xf32, #tpu.memory_space<hbm>>) target(%dma_start3A_101 : memref<16x16x128xf32, #tpu.memory_space<vmem>>) offsets(%dma_start3A_104 : memref<16xi32, #tpu.memory_space<vmem>>) semaphore(%dma_start3A_110 : memref<!tpu.dma_semaphore, #tpu.memory_space<semaphore_mem>>)
    %dma_wait3A_111 = arith.constant 1 : i32
    %dma_wait3A_112 = arith.constant 1 : i32
    %dma_wait3A_113 = arith.constant 1 : i32
    %dma_wait3A_114 = arith.constant 0 : i32
    %dma_wait3A_115 = arith.constant 0 : i32
    %dma_wait3A_116 = arith.constant 0 : i32
    %dma_wait3A_117 = tpu.memref_slice %arg6[%dma_wait3A_112, %dma_wait3A_114, %dma_wait3A_115, %dma_wait3A_116] : memref<2x16x16x128xf32, #tpu.memory_space<vmem>> -> memref<1x16x16x128xf32, #tpu.memory_space<vmem>>
    %dma_wait3A_118 = tpu.memref_squeeze %dma_wait3A_117 : memref<1x16x16x128xf32, #tpu.memory_space<vmem>> -> memref<16x16x128xf32, #tpu.memory_space<vmem>>
    %dma_wait3A_119 = arith.constant 0 : i32
    %dma_wait3A_120 = tpu.memref_slice %arg5[%dma_wait3A_111, %dma_wait3A_119] : memref<16x16xi32, #tpu.memory_space<vmem>> -> memref<1x16xi32, #tpu.memory_space<vmem>>
    %dma_wait3A_121 = tpu.memref_squeeze %dma_wait3A_120 : memref<1x16xi32, #tpu.memory_space<vmem>> -> memref<16xi32, #tpu.memory_space<vmem>>
    %dma_wait3A_122 = arith.constant 0 : i32
    %dma_wait3A_123 = arith.constant 0 : i32
    %dma_wait3A_124 = arith.constant 0 : i32
    %dma_wait3A_125 = tpu.memref_slice %arg2[%dma_wait3A_122, %dma_wait3A_123, %dma_wait3A_124] : memref<8192x16x128xf32, #tpu.memory_space<hbm>> -> memref<8192x16x128xf32, #tpu.memory_space<hbm>>
    %dma_wait3A_126 = tpu.memref_slice %arg7[%dma_wait3A_113] : memref<2x!tpu.dma_semaphore, #tpu.memory_space<semaphore_mem>> -> memref<1x!tpu.dma_semaphore, #tpu.memory_space<semaphore_mem>>
    %dma_wait3A_127 = tpu.memref_squeeze %dma_wait3A_126 : memref<1x!tpu.dma_semaphore, #tpu.memory_space<semaphore_mem>> -> memref<!tpu.dma_semaphore, #tpu.memory_space<semaphore_mem>>
    tpu.wait_indirect_dma semaphore(%dma_wait3A_127 : memref<!tpu.dma_semaphore, #tpu.memory_space<semaphore_mem>>) src(%dma_wait3A_125 : memref<8192x16x128xf32, #tpu.memory_space<hbm>>) dst(%dma_wait3A_118 : memref<16x16x128xf32, #tpu.memory_space<vmem>>)
    %add3A_128 = arith.constant 16 : i32
    %add3A_129 = arith.addi %mul3A_2, %add3A_128 : i32
    %dma_start3A_130 = arith.constant 1 : i32
    %dma_start3A_131 = arith.constant 1 : i32
    %dma_start3A_132 = arith.constant 0 : i32
    %dma_start3A_133 = arith.constant 0 : i32
    %dma_start3A_134 = arith.constant 0 : i32
    %dma_start3A_135 = tpu.memref_slice %arg6[%dma_start3A_130, %dma_start3A_132, %dma_start3A_133, %dma_start3A_134] : memref<2x16x16x128xf32, #tpu.memory_space<vmem>> -> memref<1x16x16x128xf32, #tpu.memory_space<vmem>>
    %dma_start3A_136 = tpu.memref_squeeze %dma_start3A_135 : memref<1x16x16x128xf32, #tpu.memory_space<vmem>> -> memref<16x16x128xf32, #tpu.memory_space<vmem>>
    %dma_start3A_137 = arith.constant 0 : i32
    %dma_start3A_138 = arith.constant 0 : i32
    %dma_start3A_139 = tpu.memref_slice %arg4[%add3A_129, %dma_start3A_137, %dma_start3A_138] : memref<8192x16x128xf32, #tpu.memory_space<hbm>> -> memref<16x16x128xf32, #tpu.memory_space<hbm>>
    %dma_start3A_140 = tpu.memref_slice %arg8[%dma_start3A_131] : memref<2x!tpu.dma_semaphore, #tpu.memory_space<semaphore_mem>> -> memref<1x!tpu.dma_semaphore, #tpu.memory_space<semaphore_mem>>
    %dma_start3A_141 = tpu.memref_squeeze %dma_start3A_140 : memref<1x!tpu.dma_semaphore, #tpu.memory_space<semaphore_mem>> -> memref<!tpu.dma_semaphore, #tpu.memory_space<semaphore_mem>>
    %dma_start3A_142 = arith.constant 0 : i32
    %dma_start3A_143 = arith.constant 0 : i32
    %dma_start3A_144 = tpu.memref_slice %arg4[%add3A_129, %dma_start3A_142, %dma_start3A_143] : memref<8192x16x128xf32, #tpu.memory_space<hbm>> -> memref<16x16x128xf32, #tpu.memory_space<hbm>>
    %dma_start3A_145 = arith.constant 0 : i32
    %dma_start3A_146 = arith.constant 0 : i32
    %dma_start3A_147 = arith.constant 0 : i32
    %dma_start3A_148 = tpu.memref_slice %arg6[%dma_start3A_130, %dma_start3A_145, %dma_start3A_146, %dma_start3A_147] : memref<2x16x16x128xf32, #tpu.memory_space<vmem>> -> memref<1x16x16x128xf32, #tpu.memory_space<vmem>>
    %dma_start3A_149 = tpu.memref_squeeze %dma_start3A_148 : memref<1x16x16x128xf32, #tpu.memory_space<vmem>> -> memref<16x16x128xf32, #tpu.memory_space<vmem>>
    tpu.enqueue_dma source(%dma_start3A_149 : memref<16x16x128xf32, #tpu.memory_space<vmem>>) target(%dma_start3A_144 : memref<16x16x128xf32, #tpu.memory_space<hbm>>) target_semaphore(%dma_start3A_141 : memref<!tpu.dma_semaphore, #tpu.memory_space<semaphore_mem>>)
    %dma_wait3A_150 = arith.constant 1 : i32
    %dma_wait3A_151 = arith.constant 1 : i32
    %dma_wait3A_152 = arith.constant 0 : i32
    %dma_wait3A_153 = arith.constant 0 : i32
    %dma_wait3A_154 = arith.constant 0 : i32
    %dma_wait3A_155 = tpu.memref_slice %arg6[%dma_wait3A_150, %dma_wait3A_152, %dma_wait3A_153, %dma_wait3A_154] : memref<2x16x16x128xf32, #tpu.memory_space<vmem>> -> memref<1x16x16x128xf32, #tpu.memory_space<vmem>>
    %dma_wait3A_156 = tpu.memref_squeeze %dma_wait3A_155 : memref<1x16x16x128xf32, #tpu.memory_space<vmem>> -> memref<16x16x128xf32, #tpu.memory_space<vmem>>
    %dma_wait3A_157 = arith.constant 0 : i32
    %dma_wait3A_158 = arith.constant 0 : i32
    %dma_wait3A_159 = tpu.memref_slice %arg4[%add3A_129, %dma_wait3A_157, %dma_wait3A_158] : memref<8192x16x128xf32, #tpu.memory_space<hbm>> -> memref<16x16x128xf32, #tpu.memory_space<hbm>>
    %dma_wait3A_160 = tpu.memref_slice %arg8[%dma_wait3A_151] : memref<2x!tpu.dma_semaphore, #tpu.memory_space<semaphore_mem>> -> memref<1x!tpu.dma_semaphore, #tpu.memory_space<semaphore_mem>>
    %dma_wait3A_161 = tpu.memref_squeeze %dma_wait3A_160 : memref<1x!tpu.dma_semaphore, #tpu.memory_space<semaphore_mem>> -> memref<!tpu.dma_semaphore, #tpu.memory_space<semaphore_mem>>
    %dma_wait3A_162 = arith.constant 0 : i32
    %dma_wait3A_163 = arith.constant 0 : i32
    %dma_wait3A_164 = tpu.memref_slice %arg4[%add3A_129, %dma_wait3A_162, %dma_wait3A_163] : memref<8192x16x128xf32, #tpu.memory_space<hbm>> -> memref<16x16x128xf32, #tpu.memory_space<hbm>>
    %dma_wait3A_165 = arith.constant 0 : i32
    %dma_wait3A_166 = arith.constant 0 : i32
    %dma_wait3A_167 = arith.constant 0 : i32
    %dma_wait3A_168 = tpu.memref_slice %arg6[%dma_wait3A_150, %dma_wait3A_165, %dma_wait3A_166, %dma_wait3A_167] : memref<2x16x16x128xf32, #tpu.memory_space<vmem>> -> memref<1x16x16x128xf32, #tpu.memory_space<vmem>>
    %dma_wait3A_169 = tpu.memref_squeeze %dma_wait3A_168 : memref<1x16x16x128xf32, #tpu.memory_space<vmem>> -> memref<16x16x128xf32, #tpu.memory_space<vmem>>
    tpu.wait_dma2 semaphore(%dma_wait3A_161 : memref<!tpu.dma_semaphore, #tpu.memory_space<semaphore_mem>>) src(%dma_wait3A_169 : memref<16x16x128xf32, #tpu.memory_space<vmem>>) dst(%dma_wait3A_164 : memref<16x16x128xf32, #tpu.memory_space<hbm>>)
    %dma_start3A_170 = arith.constant 3 : i32
    %dma_start3A_171 = arith.constant 1 : i32
    %dma_start3A_172 = arith.constant 1 : i32
    %dma_start3A_173 = arith.constant 0 : i32
    %dma_start3A_174 = arith.constant 0 : i32
    %dma_start3A_175 = arith.constant 0 : i32
    %dma_start3A_176 = tpu.memref_slice %arg6[%dma_start3A_171, %dma_start3A_173, %dma_start3A_174, %dma_start3A_175] : memref<2x16x16x128xf32, #tpu.memory_space<vmem>> -> memref<1x16x16x128xf32, #tpu.memory_space<vmem>>
    %dma_start3A_177 = tpu.memref_squeeze %dma_start3A_176 : memref<1x16x16x128xf32, #tpu.memory_space<vmem>> -> memref<16x16x128xf32, #tpu.memory_space<vmem>>
    %dma_start3A_178 = arith.constant 0 : i32
    %dma_start3A_179 = tpu.memref_slice %arg5[%dma_start3A_170, %dma_start3A_178] : memref<16x16xi32, #tpu.memory_space<vmem>> -> memref<1x16xi32, #tpu.memory_space<vmem>>
    %dma_start3A_180 = tpu.memref_squeeze %dma_start3A_179 : memref<1x16xi32, #tpu.memory_space<vmem>> -> memref<16xi32, #tpu.memory_space<vmem>>
    %dma_start3A_181 = arith.constant 0 : i32
    %dma_start3A_182 = arith.constant 0 : i32
    %dma_start3A_183 = arith.constant 0 : i32
    %dma_start3A_184 = tpu.memref_slice %arg2[%dma_start3A_181, %dma_start3A_182, %dma_start3A_183] : memref<8192x16x128xf32, #tpu.memory_space<hbm>> -> memref<8192x16x128xf32, #tpu.memory_space<hbm>>
    %dma_start3A_185 = tpu.memref_slice %arg7[%dma_start3A_172] : memref<2x!tpu.dma_semaphore, #tpu.memory_space<semaphore_mem>> -> memref<1x!tpu.dma_semaphore, #tpu.memory_space<semaphore_mem>>
    %dma_start3A_186 = tpu.memref_squeeze %dma_start3A_185 : memref<1x!tpu.dma_semaphore, #tpu.memory_space<semaphore_mem>> -> memref<!tpu.dma_semaphore, #tpu.memory_space<semaphore_mem>>
    tpu.enqueue_indirect_dma source(%dma_start3A_184 : memref<8192x16x128xf32, #tpu.memory_space<hbm>>) target(%dma_start3A_177 : memref<16x16x128xf32, #tpu.memory_space<vmem>>) offsets(%dma_start3A_180 : memref<16xi32, #tpu.memory_space<vmem>>) semaphore(%dma_start3A_186 : memref<!tpu.dma_semaphore, #tpu.memory_space<semaphore_mem>>)
    %dma_wait3A_187 = arith.constant 2 : i32
    %dma_wait3A_188 = arith.constant 0 : i32
    %dma_wait3A_189 = arith.constant 0 : i32
    %dma_wait3A_190 = arith.constant 0 : i32
    %dma_wait3A_191 = arith.constant 0 : i32
    %dma_wait3A_192 = arith.constant 0 : i32
    %dma_wait3A_193 = tpu.memref_slice %arg6[%dma_wait3A_188, %dma_wait3A_190, %dma_wait3A_191, %dma_wait3A_192] : memref<2x16x16x128xf32, #tpu.memory_space<vmem>> -> memref<1x16x16x128xf32, #tpu.memory_space<vmem>>
    %dma_wait3A_194 = tpu.memref_squeeze %dma_wait3A_193 : memref<1x16x16x128xf32, #tpu.memory_space<vmem>> -> memref<16x16x128xf32, #tpu.memory_space<vmem>>
    %dma_wait3A_195 = arith.constant 0 : i32
    %dma_wait3A_196 = tpu.memref_slice %arg5[%dma_wait3A_187, %dma_wait3A_195] : memref<16x16xi32, #tpu.memory_space<vmem>> -> memref<1x16xi32, #tpu.memory_space<vmem>>
    %dma_wait3A_197 = tpu.memref_squeeze %dma_wait3A_196 : memref<1x16xi32, #tpu.memory_space<vmem>> -> memref<16xi32, #tpu.memory_space<vmem>>
    %dma_wait3A_198 = arith.constant 0 : i32
    %dma_wait3A_199 = arith.constant 0 : i32
    %dma_wait3A_200 = arith.constant 0 : i32
    %dma_wait3A_201 = tpu.memref_slice %arg2[%dma_wait3A_198, %dma_wait3A_199, %dma_wait3A_200] : memref<8192x16x128xf32, #tpu.memory_space<hbm>> -> memref<8192x16x128xf32, #tpu.memory_space<hbm>>
    %dma_wait3A_202 = tpu.memref_slice %arg7[%dma_wait3A_189] : memref<2x!tpu.dma_semaphore, #tpu.memory_space<semaphore_mem>> -> memref<1x!tpu.dma_semaphore, #tpu.memory_space<semaphore_mem>>
    %dma_wait3A_203 = tpu.memref_squeeze %dma_wait3A_202 : memref<1x!tpu.dma_semaphore, #tpu.memory_space<semaphore_mem>> -> memref<!tpu.dma_semaphore, #tpu.memory_space<semaphore_mem>>
    tpu.wait_indirect_dma semaphore(%dma_wait3A_203 : memref<!tpu.dma_semaphore, #tpu.memory_space<semaphore_mem>>) src(%dma_wait3A_201 : memref<8192x16x128xf32, #tpu.memory_space<hbm>>) dst(%dma_wait3A_194 : memref<16x16x128xf32, #tpu.memory_space<vmem>>)
    %add3A_204 = arith.constant 32 : i32
    %add3A_205 = arith.addi %mul3A_2, %add3A_204 : i32
    %dma_start3A_206 = arith.constant 0 : i32
    %dma_start3A_207 = arith.constant 0 : i32
    %dma_start3A_208 = arith.constant 0 : i32
    %dma_start3A_209 = arith.constant 0 : i32
    %dma_start3A_210 = arith.constant 0 : i32
    %dma_start3A_211 = tpu.memref_slice %arg6[%dma_start3A_206, %dma_start3A_208, %dma_start3A_209, %dma_start3A_210] : memref<2x16x16x128xf32, #tpu.memory_space<vmem>> -> memref<1x16x16x128xf32, #tpu.memory_space<vmem>>
    %dma_start3A_212 = tpu.memref_squeeze %dma_start3A_211 : memref<1x16x16x128xf32, #tpu.memory_space<vmem>> -> memref<16x16x128xf32, #tpu.memory_space<vmem>>
    %dma_start3A_213 = arith.constant 0 : i32
    %dma_start3A_214 = arith.constant 0 : i32
    %dma_start3A_215 = tpu.memref_slice %arg4[%add3A_205, %dma_start3A_213, %dma_start3A_214] : memref<8192x16x128xf32, #tpu.memory_space<hbm>> -> memref<16x16x128xf32, #tpu.memory_space<hbm>>
    %dma_start3A_216 = tpu.memref_slice %arg8[%dma_start3A_207] : memref<2x!tpu.dma_semaphore, #tpu.memory_space<semaphore_mem>> -> memref<1x!tpu.dma_semaphore, #tpu.memory_space<semaphore_mem>>
    %dma_start3A_217 = tpu.memref_squeeze %dma_start3A_216 : memref<1x!tpu.dma_semaphore, #tpu.memory_space<semaphore_mem>> -> memref<!tpu.dma_semaphore, #tpu.memory_space<semaphore_mem>>
    %dma_start3A_218 = arith.constant 0 : i32
    %dma_start3A_219 = arith.constant 0 : i32
    %dma_start3A_220 = tpu.memref_slice %arg4[%add3A_205, %dma_start3A_218, %dma_start3A_219] : memref<8192x16x128xf32, #tpu.memory_space<hbm>> -> memref<16x16x128xf32, #tpu.memory_space<hbm>>
    %dma_start3A_221 = arith.constant 0 : i32
    %dma_start3A_222 = arith.constant 0 : i32
    %dma_start3A_223 = arith.constant 0 : i32
    %dma_start3A_224 = tpu.memref_slice %arg6[%dma_start3A_206, %dma_start3A_221, %dma_start3A_222, %dma_start3A_223] : memref<2x16x16x128xf32, #tpu.memory_space<vmem>> -> memref<1x16x16x128xf32, #tpu.memory_space<vmem>>
    %dma_start3A_225 = tpu.memref_squeeze %dma_start3A_224 : memref<1x16x16x128xf32, #tpu.memory_space<vmem>> -> memref<16x16x128xf32, #tpu.memory_space<vmem>>
    tpu.enqueue_dma source(%dma_start3A_225 : memref<16x16x128xf32, #tpu.memory_space<vmem>>) target(%dma_start3A_220 : memref<16x16x128xf32, #tpu.memory_space<hbm>>) target_semaphore(%dma_start3A_217 : memref<!tpu.dma_semaphore, #tpu.memory_space<semaphore_mem>>)
    %dma_wait3A_226 = arith.constant 0 : i32
    %dma_wait3A_227 = arith.constant 0 : i32
    %dma_wait3A_228 = arith.constant 0 : i32
    %dma_wait3A_229 = arith.constant 0 : i32
    %dma_wait3A_230 = arith.constant 0 : i32
    %dma_wait3A_231 = tpu.memref_slice %arg6[%dma_wait3A_226, %dma_wait3A_228, %dma_wait3A_229, %dma_wait3A_230] : memref<2x16x16x128xf32, #tpu.memory_space<vmem>> -> memref<1x16x16x128xf32, #tpu.memory_space<vmem>>
    %dma_wait3A_232 = tpu.memref_squeeze %dma_wait3A_231 : memref<1x16x16x128xf32, #tpu.memory_space<vmem>> -> memref<16x16x128xf32, #tpu.memory_space<vmem>>
    %dma_wait3A_233 = arith.constant 0 : i32
    %dma_wait3A_234 = arith.constant 0 : i32
    %dma_wait3A_235 = tpu.memref_slice %arg4[%add3A_205, %dma_wait3A_233, %dma_wait3A_234] : memref<8192x16x128xf32, #tpu.memory_space<hbm>> -> memref<16x16x128xf32, #tpu.memory_space<hbm>>
    %dma_wait3A_236 = tpu.memref_slice %arg8[%dma_wait3A_227] : memref<2x!tpu.dma_semaphore, #tpu.memory_space<semaphore_mem>> -> memref<1x!tpu.dma_semaphore, #tpu.memory_space<semaphore_mem>>
    %dma_wait3A_237 = tpu.memref_squeeze %dma_wait3A_236 : memref<1x!tpu.dma_semaphore, #tpu.memory_space<semaphore_mem>> -> memref<!tpu.dma_semaphore, #tpu.memory_space<semaphore_mem>>
    %dma_wait3A_238 = arith.constant 0 : i32
    %dma_wait3A_239 = arith.constant 0 : i32
    %dma_wait3A_240 = tpu.memref_slice %arg4[%add3A_205, %dma_wait3A_238, %dma_wait3A_239] : memref<8192x16x128xf32, #tpu.memory_space<hbm>> -> memref<16x16x128xf32, #tpu.memory_space<hbm>>
    %dma_wait3A_241 = arith.constant 0 : i32
    %dma_wait3A_242 = arith.constant 0 : i32
    %dma_wait3A_243 = arith.constant 0 : i32
    %dma_wait3A_244 = tpu.memref_slice %arg6[%dma_wait3A_226, %dma_wait3A_241, %dma_wait3A_242, %dma_wait3A_243] : memref<2x16x16x128xf32, #tpu.memory_space<vmem>> -> memref<1x16x16x128xf32, #tpu.memory_space<vmem>>
    %dma_wait3A_245 = tpu.memref_squeeze %dma_wait3A_244 : memref<1x16x16x128xf32, #tpu.memory_space<vmem>> -> memref<16x16x128xf32, #tpu.memory_space<vmem>>
    tpu.wait_dma2 semaphore(%dma_wait3A_237 : memref<!tpu.dma_semaphore, #tpu.memory_space<semaphore_mem>>) src(%dma_wait3A_245 : memref<16x16x128xf32, #tpu.memory_space<vmem>>) dst(%dma_wait3A_240 : memref<16x16x128xf32, #tpu.memory_space<hbm>>)
    %dma_start3A_246 = arith.constant 4 : i32
    %dma_start3A_247 = arith.constant 0 : i32
    %dma_start3A_248 = arith.constant 0 : i32
    %dma_start3A_249 = arith.constant 0 : i32
    %dma_start3A_250 = arith.constant 0 : i32
    %dma_start3A_251 = arith.constant 0 : i32
    %dma_start3A_252 = tpu.memref_slice %arg6[%dma_start3A_247, %dma_start3A_249, %dma_start3A_250, %dma_start3A_251] : memref<2x16x16x128xf32, #tpu.memory_space<vmem>> -> memref<1x16x16x128xf32, #tpu.memory_space<vmem>>
    %dma_start3A_253 = tpu.memref_squeeze %dma_start3A_252 : memref<1x16x16x128xf32, #tpu.memory_space<vmem>> -> memref<16x16x128xf32, #tpu.memory_space<vmem>>
    %dma_start3A_254 = arith.constant 0 : i32
    %dma_start3A_255 = tpu.memref_slice %arg5[%dma_start3A_246, %dma_start3A_254] : memref<16x16xi32, #tpu.memory_space<vmem>> -> memref<1x16xi32, #tpu.memory_space<vmem>>
    %dma_start3A_256 = tpu.memref_squeeze %dma_start3A_255 : memref<1x16xi32, #tpu.memory_space<vmem>> -> memref<16xi32, #tpu.memory_space<vmem>>
    %dma_start3A_257 = arith.constant 0 : i32
    %dma_start3A_258 = arith.constant 0 : i32
    %dma_start3A_259 = arith.constant 0 : i32
    %dma_start3A_260 = tpu.memref_slice %arg2[%dma_start3A_257, %dma_start3A_258, %dma_start3A_259] : memref<8192x16x128xf32, #tpu.memory_space<hbm>> -> memref<8192x16x128xf32, #tpu.memory_space<hbm>>
    %dma_start3A_261 = tpu.memref_slice %arg7[%dma_start3A_248] : memref<2x!tpu.dma_semaphore, #tpu.memory_space<semaphore_mem>> -> memref<1x!tpu.dma_semaphore, #tpu.memory_space<semaphore_mem>>
    %dma_start3A_262 = tpu.memref_squeeze %dma_start3A_261 : memref<1x!tpu.dma_semaphore, #tpu.memory_space<semaphore_mem>> -> memref<!tpu.dma_semaphore, #tpu.memory_space<semaphore_mem>>
    tpu.enqueue_indirect_dma source(%dma_start3A_260 : memref<8192x16x128xf32, #tpu.memory_space<hbm>>) target(%dma_start3A_253 : memref<16x16x128xf32, #tpu.memory_space<vmem>>) offsets(%dma_start3A_256 : memref<16xi32, #tpu.memory_space<vmem>>) semaphore(%dma_start3A_262 : memref<!tpu.dma_semaphore, #tpu.memory_space<semaphore_mem>>)
    %dma_wait3A_263 = arith.constant 3 : i32
    %dma_wait3A_264 = arith.constant 1 : i32
    %dma_wait3A_265 = arith.constant 1 : i32
    %dma_wait3A_266 = arith.constant 0 : i32
    %dma_wait3A_267 = arith.constant 0 : i32
    %dma_wait3A_268 = arith.constant 0 : i32
    %dma_wait3A_269 = tpu.memref_slice %arg6[%dma_wait3A_264, %dma_wait3A_266, %dma_wait3A_267, %dma_wait3A_268] : memref<2x16x16x128xf32, #tpu.memory_space<vmem>> -> memref<1x16x16x128xf32, #tpu.memory_space<vmem>>
    %dma_wait3A_270 = tpu.memref_squeeze %dma_wait3A_269 : memref<1x16x16x128xf32, #tpu.memory_space<vmem>> -> memref<16x16x128xf32, #tpu.memory_space<vmem>>
    %dma_wait3A_271 = arith.constant 0 : i32
    %dma_wait3A_272 = tpu.memref_slice %arg5[%dma_wait3A_263, %dma_wait3A_271] : memref<16x16xi32, #tpu.memory_space<vmem>> -> memref<1x16xi32, #tpu.memory_space<vmem>>
    %dma_wait3A_273 = tpu.memref_squeeze %dma_wait3A_272 : memref<1x16xi32, #tpu.memory_space<vmem>> -> memref<16xi32, #tpu.memory_space<vmem>>
    %dma_wait3A_274 = arith.constant 0 : i32
    %dma_wait3A_275 = arith.constant 0 : i32
    %dma_wait3A_276 = arith.constant 0 : i32
    %dma_wait3A_277 = tpu.memref_slice %arg2[%dma_wait3A_274, %dma_wait3A_275, %dma_wait3A_276] : memref<8192x16x128xf32, #tpu.memory_space<hbm>> -> memref<8192x16x128xf32, #tpu.memory_space<hbm>>
    %dma_wait3A_278 = tpu.memref_slice %arg7[%dma_wait3A_265] : memref<2x!tpu.dma_semaphore, #tpu.memory_space<semaphore_mem>> -> memref<1x!tpu.dma_semaphore, #tpu.memory_space<semaphore_mem>>
    %dma_wait3A_279 = tpu.memref_squeeze %dma_wait3A_278 : memref<1x!tpu.dma_semaphore, #tpu.memory_space<semaphore_mem>> -> memref<!tpu.dma_semaphore, #tpu.memory_space<semaphore_mem>>
    tpu.wait_indirect_dma semaphore(%dma_wait3A_279 : memref<!tpu.dma_semaphore, #tpu.memory_space<semaphore_mem>>) src(%dma_wait3A_277 : memref<8192x16x128xf32, #tpu.memory_space<hbm>>) dst(%dma_wait3A_270 : memref<16x16x128xf32, #tpu.memory_space<vmem>>)
    %add3A_280 = arith.constant 48 : i32
    %add3A_281 = arith.addi %mul3A_2, %add3A_280 : i32
    %dma_start3A_282 = arith.constant 1 : i32
    %dma_start3A_283 = arith.constant 1 : i32
    %dma_start3A_284 = arith.constant 0 : i32
    %dma_start3A_285 = arith.constant 0 : i32
    %dma_start3A_286 = arith.constant 0 : i32
    %dma_start3A_287 = tpu.memref_slice %arg6[%dma_start3A_282, %dma_start3A_284, %dma_start3A_285, %dma_start3A_286] : memref<2x16x16x128xf32, #tpu.memory_space<vmem>> -> memref<1x16x16x128xf32, #tpu.memory_space<vmem>>
    %dma_start3A_288 = tpu.memref_squeeze %dma_start3A_287 : memref<1x16x16x128xf32, #tpu.memory_space<vmem>> -> memref<16x16x128xf32, #tpu.memory_space<vmem>>
    %dma_start3A_289 = arith.constant 0 : i32
    %dma_start3A_290 = arith.constant 0 : i32
    %dma_start3A_291 = tpu.memref_slice %arg4[%add3A_281, %dma_start3A_289, %dma_start3A_290] : memref<8192x16x128xf32, #tpu.memory_space<hbm>> -> memref<16x16x128xf32, #tpu.memory_space<hbm>>
    %dma_start3A_292 = tpu.memref_slice %arg8[%dma_start3A_283] : memref<2x!tpu.dma_semaphore, #tpu.memory_space<semaphore_mem>> -> memref<1x!tpu.dma_semaphore, #tpu.memory_space<semaphore_mem>>
    %dma_start3A_293 = tpu.memref_squeeze %dma_start3A_292 : memref<1x!tpu.dma_semaphore, #tpu.memory_space<semaphore_mem>> -> memref<!tpu.dma_semaphore, #tpu.memory_space<semaphore_mem>>
    %dma_start3A_294 = arith.constant 0 : i32
    %dma_start3A_295 = arith.constant 0 : i32
    %dma_start3A_296 = tpu.memref_slice %arg4[%add3A_281, %dma_start3A_294, %dma_start3A_295] : memref<8192x16x128xf32, #tpu.memory_space<hbm>> -> memref<16x16x128xf32, #tpu.memory_space<hbm>>
    %dma_start3A_297 = arith.constant 0 : i32
    %dma_start3A_298 = arith.constant 0 : i32
    %dma_start3A_299 = arith.constant 0 : i32
    %dma_start3A_300 = tpu.memref_slice %arg6[%dma_start3A_282, %dma_start3A_297, %dma_start3A_298, %dma_start3A_299] : memref<2x16x16x128xf32, #tpu.memory_space<vmem>> -> memref<1x16x16x128xf32, #tpu.memory_space<vmem>>
    %dma_start3A_301 = tpu.memref_squeeze %dma_start3A_300 : memref<1x16x16x128xf32, #tpu.memory_space<vmem>> -> memref<16x16x128xf32, #tpu.memory_space<vmem>>
    tpu.enqueue_dma source(%dma_start3A_301 : memref<16x16x128xf32, #tpu.memory_space<vmem>>) target(%dma_start3A_296 : memref<16x16x128xf32, #tpu.memory_space<hbm>>) target_semaphore(%dma_start3A_293 : memref<!tpu.dma_semaphore, #tpu.memory_space<semaphore_mem>>)
    %dma_wait3A_302 = arith.constant 1 : i32
    %dma_wait3A_303 = arith.constant 1 : i32
    %dma_wait3A_304 = arith.constant 0 : i32
    %dma_wait3A_305 = arith.constant 0 : i32
    %dma_wait3A_306 = arith.constant 0 : i32
    %dma_wait3A_307 = tpu.memref_slice %arg6[%dma_wait3A_302, %dma_wait3A_304, %dma_wait3A_305, %dma_wait3A_306] : memref<2x16x16x128xf32, #tpu.memory_space<vmem>> -> memref<1x16x16x128xf32, #tpu.memory_space<vmem>>
    %dma_wait3A_308 = tpu.memref_squeeze %dma_wait3A_307 : memref<1x16x16x128xf32, #tpu.memory_space<vmem>> -> memref<16x16x128xf32, #tpu.memory_space<vmem>>
    %dma_wait3A_309 = arith.constant 0 : i32
    %dma_wait3A_310 = arith.constant 0 : i32
    %dma_wait3A_311 = tpu.memref_slice %arg4[%add3A_281, %dma_wait3A_309, %dma_wait3A_310] : memref<8192x16x128xf32, #tpu.memory_space<hbm>> -> memref<16x16x128xf32, #tpu.memory_space<hbm>>
    %dma_wait3A_312 = tpu.memref_slice %arg8[%dma_wait3A_303] : memref<2x!tpu.dma_semaphore, #tpu.memory_space<semaphore_mem>> -> memref<1x!tpu.dma_semaphore, #tpu.memory_space<semaphore_mem>>
    %dma_wait3A_313 = tpu.memref_squeeze %dma_wait3A_312 : memref<1x!tpu.dma_semaphore, #tpu.memory_space<semaphore_mem>> -> memref<!tpu.dma_semaphore, #tpu.memory_space<semaphore_mem>>
    %dma_wait3A_314 = arith.constant 0 : i32
    %dma_wait3A_315 = arith.constant 0 : i32
    %dma_wait3A_316 = tpu.memref_slice %arg4[%add3A_281, %dma_wait3A_314, %dma_wait3A_315] : memref<8192x16x128xf32, #tpu.memory_space<hbm>> -> memref<16x16x128xf32, #tpu.memory_space<hbm>>
    %dma_wait3A_317 = arith.constant 0 : i32
    %dma_wait3A_318 = arith.constant 0 : i32
    %dma_wait3A_319 = arith.constant 0 : i32
    %dma_wait3A_320 = tpu.memref_slice %arg6[%dma_wait3A_302, %dma_wait3A_317, %dma_wait3A_318, %dma_wait3A_319] : memref<2x16x16x128xf32, #tpu.memory_space<vmem>> -> memref<1x16x16x128xf32, #tpu.memory_space<vmem>>
    %dma_wait3A_321 = tpu.memref_squeeze %dma_wait3A_320 : memref<1x16x16x128xf32, #tpu.memory_space<vmem>> -> memref<16x16x128xf32, #tpu.memory_space<vmem>>
    tpu.wait_dma2 semaphore(%dma_wait3A_313 : memref<!tpu.dma_semaphore, #tpu.memory_space<semaphore_mem>>) src(%dma_wait3A_321 : memref<16x16x128xf32, #tpu.memory_space<vmem>>) dst(%dma_wait3A_316 : memref<16x16x128xf32, #tpu.memory_space<hbm>>)
    %dma_start3A_322 = arith.constant 5 : i32
    %dma_start3A_323 = arith.constant 1 : i32
    %dma_start3A_324 = arith.constant 1 : i32
    %dma_start3A_325 = arith.constant 0 : i32
    %dma_start3A_326 = arith.constant 0 : i32
    %dma_start3A_327 = arith.constant 0 : i32
    %dma_start3A_328 = tpu.memref_slice %arg6[%dma_start3A_323, %dma_start3A_325, %dma_start3A_326, %dma_start3A_327] : memref<2x16x16x128xf32, #tpu.memory_space<vmem>> -> memref<1x16x16x128xf32, #tpu.memory_space<vmem>>
    %dma_start3A_329 = tpu.memref_squeeze %dma_start3A_328 : memref<1x16x16x128xf32, #tpu.memory_space<vmem>> -> memref<16x16x128xf32, #tpu.memory_space<vmem>>
    %dma_start3A_330 = arith.constant 0 : i32
    %dma_start3A_331 = tpu.memref_slice %arg5[%dma_start3A_322, %dma_start3A_330] : memref<16x16xi32, #tpu.memory_space<vmem>> -> memref<1x16xi32, #tpu.memory_space<vmem>>
    %dma_start3A_332 = tpu.memref_squeeze %dma_start3A_331 : memref<1x16xi32, #tpu.memory_space<vmem>> -> memref<16xi32, #tpu.memory_space<vmem>>
    %dma_start3A_333 = arith.constant 0 : i32
    %dma_start3A_334 = arith.constant 0 : i32
    %dma_start3A_335 = arith.constant 0 : i32
    %dma_start3A_336 = tpu.memref_slice %arg2[%dma_start3A_333, %dma_start3A_334, %dma_start3A_335] : memref<8192x16x128xf32, #tpu.memory_space<hbm>> -> memref<8192x16x128xf32, #tpu.memory_space<hbm>>
    %dma_start3A_337 = tpu.memref_slice %arg7[%dma_start3A_324] : memref<2x!tpu.dma_semaphore, #tpu.memory_space<semaphore_mem>> -> memref<1x!tpu.dma_semaphore, #tpu.memory_space<semaphore_mem>>
    %dma_start3A_338 = tpu.memref_squeeze %dma_start3A_337 : memref<1x!tpu.dma_semaphore, #tpu.memory_space<semaphore_mem>> -> memref<!tpu.dma_semaphore, #tpu.memory_space<semaphore_mem>>
    tpu.enqueue_indirect_dma source(%dma_start3A_336 : memref<8192x16x128xf32, #tpu.memory_space<hbm>>) target(%dma_start3A_329 : memref<16x16x128xf32, #tpu.memory_space<vmem>>) offsets(%dma_start3A_332 : memref<16xi32, #tpu.memory_space<vmem>>) semaphore(%dma_start3A_338 : memref<!tpu.dma_semaphore, #tpu.memory_space<semaphore_mem>>)
    %dma_wait3A_339 = arith.constant 4 : i32
    %dma_wait3A_340 = arith.constant 0 : i32
    %dma_wait3A_341 = arith.constant 0 : i32
    %dma_wait3A_342 = arith.constant 0 : i32
    %dma_wait3A_343 = arith.constant 0 : i32
    %dma_wait3A_344 = arith.constant 0 : i32
    %dma_wait3A_345 = tpu.memref_slice %arg6[%dma_wait3A_340, %dma_wait3A_342, %dma_wait3A_343, %dma_wait3A_344] : memref<2x16x16x128xf32, #tpu.memory_space<vmem>> -> memref<1x16x16x128xf32, #tpu.memory_space<vmem>>
    %dma_wait3A_346 = tpu.memref_squeeze %dma_wait3A_345 : memref<1x16x16x128xf32, #tpu.memory_space<vmem>> -> memref<16x16x128xf32, #tpu.memory_space<vmem>>
    %dma_wait3A_347 = arith.constant 0 : i32
    %dma_wait3A_348 = tpu.memref_slice %arg5[%dma_wait3A_339, %dma_wait3A_347] : memref<16x16xi32, #tpu.memory_space<vmem>> -> memref<1x16xi32, #tpu.memory_space<vmem>>
    %dma_wait3A_349 = tpu.memref_squeeze %dma_wait3A_348 : memref<1x16xi32, #tpu.memory_space<vmem>> -> memref<16xi32, #tpu.memory_space<vmem>>
    %dma_wait3A_350 = arith.constant 0 : i32
    %dma_wait3A_351 = arith.constant 0 : i32
    %dma_wait3A_352 = arith.constant 0 : i32
    %dma_wait3A_353 = tpu.memref_slice %arg2[%dma_wait3A_350, %dma_wait3A_351, %dma_wait3A_352] : memref<8192x16x128xf32, #tpu.memory_space<hbm>> -> memref<8192x16x128xf32, #tpu.memory_space<hbm>>
    %dma_wait3A_354 = tpu.memref_slice %arg7[%dma_wait3A_341] : memref<2x!tpu.dma_semaphore, #tpu.memory_space<semaphore_mem>> -> memref<1x!tpu.dma_semaphore, #tpu.memory_space<semaphore_mem>>
    %dma_wait3A_355 = tpu.memref_squeeze %dma_wait3A_354 : memref<1x!tpu.dma_semaphore, #tpu.memory_space<semaphore_mem>> -> memref<!tpu.dma_semaphore, #tpu.memory_space<semaphore_mem>>
    tpu.wait_indirect_dma semaphore(%dma_wait3A_355 : memref<!tpu.dma_semaphore, #tpu.memory_space<semaphore_mem>>) src(%dma_wait3A_353 : memref<8192x16x128xf32, #tpu.memory_space<hbm>>) dst(%dma_wait3A_346 : memref<16x16x128xf32, #tpu.memory_space<vmem>>)
    %add3A_356 = arith.constant 64 : i32
    %add3A_357 = arith.addi %mul3A_2, %add3A_356 : i32
    %dma_start3A_358 = arith.constant 0 : i32
    %dma_start3A_359 = arith.constant 0 : i32
    %dma_start3A_360 = arith.constant 0 : i32
    %dma_start3A_361 = arith.constant 0 : i32
    %dma_start3A_362 = arith.constant 0 : i32
    %dma_start3A_363 = tpu.memref_slice %arg6[%dma_start3A_358, %dma_start3A_360, %dma_start3A_361, %dma_start3A_362] : memref<2x16x16x128xf32, #tpu.memory_space<vmem>> -> memref<1x16x16x128xf32, #tpu.memory_space<vmem>>
    %dma_start3A_364 = tpu.memref_squeeze %dma_start3A_363 : memref<1x16x16x128xf32, #tpu.memory_space<vmem>> -> memref<16x16x128xf32, #tpu.memory_space<vmem>>
    %dma_start3A_365 = arith.constant 0 : i32
    %dma_start3A_366 = arith.constant 0 : i32
    %dma_start3A_367 = tpu.memref_slice %arg4[%add3A_357, %dma_start3A_365, %dma_start3A_366] : memref<8192x16x128xf32, #tpu.memory_space<hbm>> -> memref<16x16x128xf32, #tpu.memory_space<hbm>>
    %dma_start3A_368 = tpu.memref_slice %arg8[%dma_start3A_359] : memref<2x!tpu.dma_semaphore, #tpu.memory_space<semaphore_mem>> -> memref<1x!tpu.dma_semaphore, #tpu.memory_space<semaphore_mem>>
    %dma_start3A_369 = tpu.memref_squeeze %dma_start3A_368 : memref<1x!tpu.dma_semaphore, #tpu.memory_space<semaphore_mem>> -> memref<!tpu.dma_semaphore, #tpu.memory_space<semaphore_mem>>
    %dma_start3A_370 = arith.constant 0 : i32
    %dma_start3A_371 = arith.constant 0 : i32
    %dma_start3A_372 = tpu.memref_slice %arg4[%add3A_357, %dma_start3A_370, %dma_start3A_371] : memref<8192x16x128xf32, #tpu.memory_space<hbm>> -> memref<16x16x128xf32, #tpu.memory_space<hbm>>
    %dma_start3A_373 = arith.constant 0 : i32
    %dma_start3A_374 = arith.constant 0 : i32
    %dma_start3A_375 = arith.constant 0 : i32
    %dma_start3A_376 = tpu.memref_slice %arg6[%dma_start3A_358, %dma_start3A_373, %dma_start3A_374, %dma_start3A_375] : memref<2x16x16x128xf32, #tpu.memory_space<vmem>> -> memref<1x16x16x128xf32, #tpu.memory_space<vmem>>
    %dma_start3A_377 = tpu.memref_squeeze %dma_start3A_376 : memref<1x16x16x128xf32, #tpu.memory_space<vmem>> -> memref<16x16x128xf32, #tpu.memory_space<vmem>>
    tpu.enqueue_dma source(%dma_start3A_377 : memref<16x16x128xf32, #tpu.memory_space<vmem>>) target(%dma_start3A_372 : memref<16x16x128xf32, #tpu.memory_space<hbm>>) target_semaphore(%dma_start3A_369 : memref<!tpu.dma_semaphore, #tpu.memory_space<semaphore_mem>>)
    %dma_wait3A_378 = arith.constant 0 : i32
    %dma_wait3A_379 = arith.constant 0 : i32
    %dma_wait3A_380 = arith.constant 0 : i32
    %dma_wait3A_381 = arith.constant 0 : i32
    %dma_wait3A_382 = arith.constant 0 : i32
    %dma_wait3A_383 = tpu.memref_slice %arg6[%dma_wait3A_378, %dma_wait3A_380, %dma_wait3A_381, %dma_wait3A_382] : memref<2x16x16x128xf32, #tpu.memory_space<vmem>> -> memref<1x16x16x128xf32, #tpu.memory_space<vmem>>
    %dma_wait3A_384 = tpu.memref_squeeze %dma_wait3A_383 : memref<1x16x16x128xf32, #tpu.memory_space<vmem>> -> memref<16x16x128xf32, #tpu.memory_space<vmem>>
    %dma_wait3A_385 = arith.constant 0 : i32
    %dma_wait3A_386 = arith.constant 0 : i32
    %dma_wait3A_387 = tpu.memref_slice %arg4[%add3A_357, %dma_wait3A_385, %dma_wait3A_386] : memref<8192x16x128xf32, #tpu.memory_space<hbm>> -> memref<16x16x128xf32, #tpu.memory_space<hbm>>
    %dma_wait3A_388 = tpu.memref_slice %arg8[%dma_wait3A_379] : memref<2x!tpu.dma_semaphore, #tpu.memory_space<semaphore_mem>> -> memref<1x!tpu.dma_semaphore, #tpu.memory_space<semaphore_mem>>
    %dma_wait3A_389 = tpu.memref_squeeze %dma_wait3A_388 : memref<1x!tpu.dma_semaphore, #tpu.memory_space<semaphore_mem>> -> memref<!tpu.dma_semaphore, #tpu.memory_space<semaphore_mem>>
    %dma_wait3A_390 = arith.constant 0 : i32
    %dma_wait3A_391 = arith.constant 0 : i32
    %dma_wait3A_392 = tpu.memref_slice %arg4[%add3A_357, %dma_wait3A_390, %dma_wait3A_391] : memref<8192x16x128xf32, #tpu.memory_space<hbm>> -> memref<16x16x128xf32, #tpu.memory_space<hbm>>
    %dma_wait3A_393 = arith.constant 0 : i32
    %dma_wait3A_394 = arith.constant 0 : i32
    %dma_wait3A_395 = arith.constant 0 : i32
    %dma_wait3A_396 = tpu.memref_slice %arg6[%dma_wait3A_378, %dma_wait3A_393, %dma_wait3A_394, %dma_wait3A_395] : memref<2x16x16x128xf32, #tpu.memory_space<vmem>> -> memref<1x16x16x128xf32, #tpu.memory_space<vmem>>
    %dma_wait3A_397 = tpu.memref_squeeze %dma_wait3A_396 : memref<1x16x16x128xf32, #tpu.memory_space<vmem>> -> memref<16x16x128xf32, #tpu.memory_space<vmem>>
    tpu.wait_dma2 semaphore(%dma_wait3A_389 : memref<!tpu.dma_semaphore, #tpu.memory_space<semaphore_mem>>) src(%dma_wait3A_397 : memref<16x16x128xf32, #tpu.memory_space<vmem>>) dst(%dma_wait3A_392 : memref<16x16x128xf32, #tpu.memory_space<hbm>>)
    %dma_start3A_398 = arith.constant 6 : i32
    %dma_start3A_399 = arith.constant 0 : i32
    %dma_start3A_400 = arith.constant 0 : i32
    %dma_start3A_401 = arith.constant 0 : i32
    %dma_start3A_402 = arith.constant 0 : i32
    %dma_start3A_403 = arith.constant 0 : i32
    %dma_start3A_404 = tpu.memref_slice %arg6[%dma_start3A_399, %dma_start3A_401, %dma_start3A_402, %dma_start3A_403] : memref<2x16x16x128xf32, #tpu.memory_space<vmem>> -> memref<1x16x16x128xf32, #tpu.memory_space<vmem>>
    %dma_start3A_405 = tpu.memref_squeeze %dma_start3A_404 : memref<1x16x16x128xf32, #tpu.memory_space<vmem>> -> memref<16x16x128xf32, #tpu.memory_space<vmem>>
    %dma_start3A_406 = arith.constant 0 : i32
    %dma_start3A_407 = tpu.memref_slice %arg5[%dma_start3A_398, %dma_start3A_406] : memref<16x16xi32, #tpu.memory_space<vmem>> -> memref<1x16xi32, #tpu.memory_space<vmem>>
    %dma_start3A_408 = tpu.memref_squeeze %dma_start3A_407 : memref<1x16xi32, #tpu.memory_space<vmem>> -> memref<16xi32, #tpu.memory_space<vmem>>
    %dma_start3A_409 = arith.constant 0 : i32
    %dma_start3A_410 = arith.constant 0 : i32
    %dma_start3A_411 = arith.constant 0 : i32
    %dma_start3A_412 = tpu.memref_slice %arg2[%dma_start3A_409, %dma_start3A_410, %dma_start3A_411] : memref<8192x16x128xf32, #tpu.memory_space<hbm>> -> memref<8192x16x128xf32, #tpu.memory_space<hbm>>
    %dma_start3A_413 = tpu.memref_slice %arg7[%dma_start3A_400] : memref<2x!tpu.dma_semaphore, #tpu.memory_space<semaphore_mem>> -> memref<1x!tpu.dma_semaphore, #tpu.memory_space<semaphore_mem>>
    %dma_start3A_414 = tpu.memref_squeeze %dma_start3A_413 : memref<1x!tpu.dma_semaphore, #tpu.memory_space<semaphore_mem>> -> memref<!tpu.dma_semaphore, #tpu.memory_space<semaphore_mem>>
    tpu.enqueue_indirect_dma source(%dma_start3A_412 : memref<8192x16x128xf32, #tpu.memory_space<hbm>>) target(%dma_start3A_405 : memref<16x16x128xf32, #tpu.memory_space<vmem>>) offsets(%dma_start3A_408 : memref<16xi32, #tpu.memory_space<vmem>>) semaphore(%dma_start3A_414 : memref<!tpu.dma_semaphore, #tpu.memory_space<semaphore_mem>>)
    %dma_wait3A_415 = arith.constant 5 : i32
    %dma_wait3A_416 = arith.constant 1 : i32
    %dma_wait3A_417 = arith.constant 1 : i32
    %dma_wait3A_418 = arith.constant 0 : i32
    %dma_wait3A_419 = arith.constant 0 : i32
    %dma_wait3A_420 = arith.constant 0 : i32
    %dma_wait3A_421 = tpu.memref_slice %arg6[%dma_wait3A_416, %dma_wait3A_418, %dma_wait3A_419, %dma_wait3A_420] : memref<2x16x16x128xf32, #tpu.memory_space<vmem>> -> memref<1x16x16x128xf32, #tpu.memory_space<vmem>>
    %dma_wait3A_422 = tpu.memref_squeeze %dma_wait3A_421 : memref<1x16x16x128xf32, #tpu.memory_space<vmem>> -> memref<16x16x128xf32, #tpu.memory_space<vmem>>
    %dma_wait3A_423 = arith.constant 0 : i32
    %dma_wait3A_424 = tpu.memref_slice %arg5[%dma_wait3A_415, %dma_wait3A_423] : memref<16x16xi32, #tpu.memory_space<vmem>> -> memref<1x16xi32, #tpu.memory_space<vmem>>
    %dma_wait3A_425 = tpu.memref_squeeze %dma_wait3A_424 : memref<1x16xi32, #tpu.memory_space<vmem>> -> memref<16xi32, #tpu.memory_space<vmem>>
    %dma_wait3A_426 = arith.constant 0 : i32
    %dma_wait3A_427 = arith.constant 0 : i32
    %dma_wait3A_428 = arith.constant 0 : i32
    %dma_wait3A_429 = tpu.memref_slice %arg2[%dma_wait3A_426, %dma_wait3A_427, %dma_wait3A_428] : memref<8192x16x128xf32, #tpu.memory_space<hbm>> -> memref<8192x16x128xf32, #tpu.memory_space<hbm>>
    %dma_wait3A_430 = tpu.memref_slice %arg7[%dma_wait3A_417] : memref<2x!tpu.dma_semaphore, #tpu.memory_space<semaphore_mem>> -> memref<1x!tpu.dma_semaphore, #tpu.memory_space<semaphore_mem>>
    %dma_wait3A_431 = tpu.memref_squeeze %dma_wait3A_430 : memref<1x!tpu.dma_semaphore, #tpu.memory_space<semaphore_mem>> -> memref<!tpu.dma_semaphore, #tpu.memory_space<semaphore_mem>>
    tpu.wait_indirect_dma semaphore(%dma_wait3A_431 : memref<!tpu.dma_semaphore, #tpu.memory_space<semaphore_mem>>) src(%dma_wait3A_429 : memref<8192x16x128xf32, #tpu.memory_space<hbm>>) dst(%dma_wait3A_422 : memref<16x16x128xf32, #tpu.memory_space<vmem>>)
    %add3A_432 = arith.constant 80 : i32
    %add3A_433 = arith.addi %mul3A_2, %add3A_432 : i32
    %dma_start3A_434 = arith.constant 1 : i32
    %dma_start3A_435 = arith.constant 1 : i32
    %dma_start3A_436 = arith.constant 0 : i32
    %dma_start3A_437 = arith.constant 0 : i32
    %dma_start3A_438 = arith.constant 0 : i32
    %dma_start3A_439 = tpu.memref_slice %arg6[%dma_start3A_434, %dma_start3A_436, %dma_start3A_437, %dma_start3A_438] : memref<2x16x16x128xf32, #tpu.memory_space<vmem>> -> memref<1x16x16x128xf32, #tpu.memory_space<vmem>>
    %dma_start3A_440 = tpu.memref_squeeze %dma_start3A_439 : memref<1x16x16x128xf32, #tpu.memory_space<vmem>> -> memref<16x16x128xf32, #tpu.memory_space<vmem>>
    %dma_start3A_441 = arith.constant 0 : i32
    %dma_start3A_442 = arith.constant 0 : i32
    %dma_start3A_443 = tpu.memref_slice %arg4[%add3A_433, %dma_start3A_441, %dma_start3A_442] : memref<8192x16x128xf32, #tpu.memory_space<hbm>> -> memref<16x16x128xf32, #tpu.memory_space<hbm>>
    %dma_start3A_444 = tpu.memref_slice %arg8[%dma_start3A_435] : memref<2x!tpu.dma_semaphore, #tpu.memory_space<semaphore_mem>> -> memref<1x!tpu.dma_semaphore, #tpu.memory_space<semaphore_mem>>
    %dma_start3A_445 = tpu.memref_squeeze %dma_start3A_444 : memref<1x!tpu.dma_semaphore, #tpu.memory_space<semaphore_mem>> -> memref<!tpu.dma_semaphore, #tpu.memory_space<semaphore_mem>>
    %dma_start3A_446 = arith.constant 0 : i32
    %dma_start3A_447 = arith.constant 0 : i32
    %dma_start3A_448 = tpu.memref_slice %arg4[%add3A_433, %dma_start3A_446, %dma_start3A_447] : memref<8192x16x128xf32, #tpu.memory_space<hbm>> -> memref<16x16x128xf32, #tpu.memory_space<hbm>>
    %dma_start3A_449 = arith.constant 0 : i32
    %dma_start3A_450 = arith.constant 0 : i32
    %dma_start3A_451 = arith.constant 0 : i32
    %dma_start3A_452 = tpu.memref_slice %arg6[%dma_start3A_434, %dma_start3A_449, %dma_start3A_450, %dma_start3A_451] : memref<2x16x16x128xf32, #tpu.memory_space<vmem>> -> memref<1x16x16x128xf32, #tpu.memory_space<vmem>>
    %dma_start3A_453 = tpu.memref_squeeze %dma_start3A_452 : memref<1x16x16x128xf32, #tpu.memory_space<vmem>> -> memref<16x16x128xf32, #tpu.memory_space<vmem>>
    tpu.enqueue_dma source(%dma_start3A_453 : memref<16x16x128xf32, #tpu.memory_space<vmem>>) target(%dma_start3A_448 : memref<16x16x128xf32, #tpu.memory_space<hbm>>) target_semaphore(%dma_start3A_445 : memref<!tpu.dma_semaphore, #tpu.memory_space<semaphore_mem>>)
    %dma_wait3A_454 = arith.constant 1 : i32
    %dma_wait3A_455 = arith.constant 1 : i32
    %dma_wait3A_456 = arith.constant 0 : i32
    %dma_wait3A_457 = arith.constant 0 : i32
    %dma_wait3A_458 = arith.constant 0 : i32
    %dma_wait3A_459 = tpu.memref_slice %arg6[%dma_wait3A_454, %dma_wait3A_456, %dma_wait3A_457, %dma_wait3A_458] : memref<2x16x16x128xf32, #tpu.memory_space<vmem>> -> memref<1x16x16x128xf32, #tpu.memory_space<vmem>>
    %dma_wait3A_460 = tpu.memref_squeeze %dma_wait3A_459 : memref<1x16x16x128xf32, #tpu.memory_space<vmem>> -> memref<16x16x128xf32, #tpu.memory_space<vmem>>
    %dma_wait3A_461 = arith.constant 0 : i32
    %dma_wait3A_462 = arith.constant 0 : i32
    %dma_wait3A_463 = tpu.memref_slice %arg4[%add3A_433, %dma_wait3A_461, %dma_wait3A_462] : memref<8192x16x128xf32, #tpu.memory_space<hbm>> -> memref<16x16x128xf32, #tpu.memory_space<hbm>>
    %dma_wait3A_464 = tpu.memref_slice %arg8[%dma_wait3A_455] : memref<2x!tpu.dma_semaphore, #tpu.memory_space<semaphore_mem>> -> memref<1x!tpu.dma_semaphore, #tpu.memory_space<semaphore_mem>>
    %dma_wait3A_465 = tpu.memref_squeeze %dma_wait3A_464 : memref<1x!tpu.dma_semaphore, #tpu.memory_space<semaphore_mem>> -> memref<!tpu.dma_semaphore, #tpu.memory_space<semaphore_mem>>
    %dma_wait3A_466 = arith.constant 0 : i32
    %dma_wait3A_467 = arith.constant 0 : i32
    %dma_wait3A_468 = tpu.memref_slice %arg4[%add3A_433, %dma_wait3A_466, %dma_wait3A_467] : memref<8192x16x128xf32, #tpu.memory_space<hbm>> -> memref<16x16x128xf32, #tpu.memory_space<hbm>>
    %dma_wait3A_469 = arith.constant 0 : i32
    %dma_wait3A_470 = arith.constant 0 : i32
    %dma_wait3A_471 = arith.constant 0 : i32
    %dma_wait3A_472 = tpu.memref_slice %arg6[%dma_wait3A_454, %dma_wait3A_469, %dma_wait3A_470, %dma_wait3A_471] : memref<2x16x16x128xf32, #tpu.memory_space<vmem>> -> memref<1x16x16x128xf32, #tpu.memory_space<vmem>>
    %dma_wait3A_473 = tpu.memref_squeeze %dma_wait3A_472 : memref<1x16x16x128xf32, #tpu.memory_space<vmem>> -> memref<16x16x128xf32, #tpu.memory_space<vmem>>
    tpu.wait_dma2 semaphore(%dma_wait3A_465 : memref<!tpu.dma_semaphore, #tpu.memory_space<semaphore_mem>>) src(%dma_wait3A_473 : memref<16x16x128xf32, #tpu.memory_space<vmem>>) dst(%dma_wait3A_468 : memref<16x16x128xf32, #tpu.memory_space<hbm>>)
    %dma_start3A_474 = arith.constant 7 : i32
    %dma_start3A_475 = arith.constant 1 : i32
    %dma_start3A_476 = arith.constant 1 : i32
    %dma_start3A_477 = arith.constant 0 : i32
    %dma_start3A_478 = arith.constant 0 : i32
    %dma_start3A_479 = arith.constant 0 : i32
    %dma_start3A_480 = tpu.memref_slice %arg6[%dma_start3A_475, %dma_start3A_477, %dma_start3A_478, %dma_start3A_479] : memref<2x16x16x128xf32, #tpu.memory_space<vmem>> -> memref<1x16x16x128xf32, #tpu.memory_space<vmem>>
    %dma_start3A_481 = tpu.memref_squeeze %dma_start3A_480 : memref<1x16x16x128xf32, #tpu.memory_space<vmem>> -> memref<16x16x128xf32, #tpu.memory_space<vmem>>
    %dma_start3A_482 = arith.constant 0 : i32
    %dma_start3A_483 = tpu.memref_slice %arg5[%dma_start3A_474, %dma_start3A_482] : memref<16x16xi32, #tpu.memory_space<vmem>> -> memref<1x16xi32, #tpu.memory_space<vmem>>
    %dma_start3A_484 = tpu.memref_squeeze %dma_start3A_483 : memref<1x16xi32, #tpu.memory_space<vmem>> -> memref<16xi32, #tpu.memory_space<vmem>>
    %dma_start3A_485 = arith.constant 0 : i32
    %dma_start3A_486 = arith.constant 0 : i32
    %dma_start3A_487 = arith.constant 0 : i32
    %dma_start3A_488 = tpu.memref_slice %arg2[%dma_start3A_485, %dma_start3A_486, %dma_start3A_487] : memref<8192x16x128xf32, #tpu.memory_space<hbm>> -> memref<8192x16x128xf32, #tpu.memory_space<hbm>>
    %dma_start3A_489 = tpu.memref_slice %arg7[%dma_start3A_476] : memref<2x!tpu.dma_semaphore, #tpu.memory_space<semaphore_mem>> -> memref<1x!tpu.dma_semaphore, #tpu.memory_space<semaphore_mem>>
    %dma_start3A_490 = tpu.memref_squeeze %dma_start3A_489 : memref<1x!tpu.dma_semaphore, #tpu.memory_space<semaphore_mem>> -> memref<!tpu.dma_semaphore, #tpu.memory_space<semaphore_mem>>
    tpu.enqueue_indirect_dma source(%dma_start3A_488 : memref<8192x16x128xf32, #tpu.memory_space<hbm>>) target(%dma_start3A_481 : memref<16x16x128xf32, #tpu.memory_space<vmem>>) offsets(%dma_start3A_484 : memref<16xi32, #tpu.memory_space<vmem>>) semaphore(%dma_start3A_490 : memref<!tpu.dma_semaphore, #tpu.memory_space<semaphore_mem>>)
    %dma_wait3A_491 = arith.constant 6 : i32
    %dma_wait3A_492 = arith.constant 0 : i32
    %dma_wait3A_493 = arith.constant 0 : i32
    %dma_wait3A_494 = arith.constant 0 : i32
    %dma_wait3A_495 = arith.constant 0 : i32
    %dma_wait3A_496 = arith.constant 0 : i32
    %dma_wait3A_497 = tpu.memref_slice %arg6[%dma_wait3A_492, %dma_wait3A_494, %dma_wait3A_495, %dma_wait3A_496] : memref<2x16x16x128xf32, #tpu.memory_space<vmem>> -> memref<1x16x16x128xf32, #tpu.memory_space<vmem>>
    %dma_wait3A_498 = tpu.memref_squeeze %dma_wait3A_497 : memref<1x16x16x128xf32, #tpu.memory_space<vmem>> -> memref<16x16x128xf32, #tpu.memory_space<vmem>>
    %dma_wait3A_499 = arith.constant 0 : i32
    %dma_wait3A_500 = tpu.memref_slice %arg5[%dma_wait3A_491, %dma_wait3A_499] : memref<16x16xi32, #tpu.memory_space<vmem>> -> memref<1x16xi32, #tpu.memory_space<vmem>>
    %dma_wait3A_501 = tpu.memref_squeeze %dma_wait3A_500 : memref<1x16xi32, #tpu.memory_space<vmem>> -> memref<16xi32, #tpu.memory_space<vmem>>
    %dma_wait3A_502 = arith.constant 0 : i32
    %dma_wait3A_503 = arith.constant 0 : i32
    %dma_wait3A_504 = arith.constant 0 : i32
    %dma_wait3A_505 = tpu.memref_slice %arg2[%dma_wait3A_502, %dma_wait3A_503, %dma_wait3A_504] : memref<8192x16x128xf32, #tpu.memory_space<hbm>> -> memref<8192x16x128xf32, #tpu.memory_space<hbm>>
    %dma_wait3A_506 = tpu.memref_slice %arg7[%dma_wait3A_493] : memref<2x!tpu.dma_semaphore, #tpu.memory_space<semaphore_mem>> -> memref<1x!tpu.dma_semaphore, #tpu.memory_space<semaphore_mem>>
    %dma_wait3A_507 = tpu.memref_squeeze %dma_wait3A_506 : memref<1x!tpu.dma_semaphore, #tpu.memory_space<semaphore_mem>> -> memref<!tpu.dma_semaphore, #tpu.memory_space<semaphore_mem>>
    tpu.wait_indirect_dma semaphore(%dma_wait3A_507 : memref<!tpu.dma_semaphore, #tpu.memory_space<semaphore_mem>>) src(%dma_wait3A_505 : memref<8192x16x128xf32, #tpu.memory_space<hbm>>) dst(%dma_wait3A_498 : memref<16x16x128xf32, #tpu.memory_space<vmem>>)
    %add3A_508 = arith.constant 96 : i32
    %add3A_509 = arith.addi %mul3A_2, %add3A_508 : i32
    %dma_start3A_510 = arith.constant 0 : i32
    %dma_start3A_511 = arith.constant 0 : i32
    %dma_start3A_512 = arith.constant 0 : i32
    %dma_start3A_513 = arith.constant 0 : i32
    %dma_start3A_514 = arith.constant 0 : i32
    %dma_start3A_515 = tpu.memref_slice %arg6[%dma_start3A_510, %dma_start3A_512, %dma_start3A_513, %dma_start3A_514] : memref<2x16x16x128xf32, #tpu.memory_space<vmem>> -> memref<1x16x16x128xf32, #tpu.memory_space<vmem>>
    %dma_start3A_516 = tpu.memref_squeeze %dma_start3A_515 : memref<1x16x16x128xf32, #tpu.memory_space<vmem>> -> memref<16x16x128xf32, #tpu.memory_space<vmem>>
    %dma_start3A_517 = arith.constant 0 : i32
    %dma_start3A_518 = arith.constant 0 : i32
    %dma_start3A_519 = tpu.memref_slice %arg4[%add3A_509, %dma_start3A_517, %dma_start3A_518] : memref<8192x16x128xf32, #tpu.memory_space<hbm>> -> memref<16x16x128xf32, #tpu.memory_space<hbm>>
    %dma_start3A_520 = tpu.memref_slice %arg8[%dma_start3A_511] : memref<2x!tpu.dma_semaphore, #tpu.memory_space<semaphore_mem>> -> memref<1x!tpu.dma_semaphore, #tpu.memory_space<semaphore_mem>>
    %dma_start3A_521 = tpu.memref_squeeze %dma_start3A_520 : memref<1x!tpu.dma_semaphore, #tpu.memory_space<semaphore_mem>> -> memref<!tpu.dma_semaphore, #tpu.memory_space<semaphore_mem>>
    %dma_start3A_522 = arith.constant 0 : i32
    %dma_start3A_523 = arith.constant 0 : i32
    %dma_start3A_524 = tpu.memref_slice %arg4[%add3A_509, %dma_start3A_522, %dma_start3A_523] : memref<8192x16x128xf32, #tpu.memory_space<hbm>> -> memref<16x16x128xf32, #tpu.memory_space<hbm>>
    %dma_start3A_525 = arith.constant 0 : i32
    %dma_start3A_526 = arith.constant 0 : i32
    %dma_start3A_527 = arith.constant 0 : i32
    %dma_start3A_528 = tpu.memref_slice %arg6[%dma_start3A_510, %dma_start3A_525, %dma_start3A_526, %dma_start3A_527] : memref<2x16x16x128xf32, #tpu.memory_space<vmem>> -> memref<1x16x16x128xf32, #tpu.memory_space<vmem>>
    %dma_start3A_529 = tpu.memref_squeeze %dma_start3A_528 : memref<1x16x16x128xf32, #tpu.memory_space<vmem>> -> memref<16x16x128xf32, #tpu.memory_space<vmem>>
    tpu.enqueue_dma source(%dma_start3A_529 : memref<16x16x128xf32, #tpu.memory_space<vmem>>) target(%dma_start3A_524 : memref<16x16x128xf32, #tpu.memory_space<hbm>>) target_semaphore(%dma_start3A_521 : memref<!tpu.dma_semaphore, #tpu.memory_space<semaphore_mem>>)
    %dma_wait3A_530 = arith.constant 0 : i32
    %dma_wait3A_531 = arith.constant 0 : i32
    %dma_wait3A_532 = arith.constant 0 : i32
    %dma_wait3A_533 = arith.constant 0 : i32
    %dma_wait3A_534 = arith.constant 0 : i32
    %dma_wait3A_535 = tpu.memref_slice %arg6[%dma_wait3A_530, %dma_wait3A_532, %dma_wait3A_533, %dma_wait3A_534] : memref<2x16x16x128xf32, #tpu.memory_space<vmem>> -> memref<1x16x16x128xf32, #tpu.memory_space<vmem>>
    %dma_wait3A_536 = tpu.memref_squeeze %dma_wait3A_535 : memref<1x16x16x128xf32, #tpu.memory_space<vmem>> -> memref<16x16x128xf32, #tpu.memory_space<vmem>>
    %dma_wait3A_537 = arith.constant 0 : i32
    %dma_wait3A_538 = arith.constant 0 : i32
    %dma_wait3A_539 = tpu.memref_slice %arg4[%add3A_509, %dma_wait3A_537, %dma_wait3A_538] : memref<8192x16x128xf32, #tpu.memory_space<hbm>> -> memref<16x16x128xf32, #tpu.memory_space<hbm>>
    %dma_wait3A_540 = tpu.memref_slice %arg8[%dma_wait3A_531] : memref<2x!tpu.dma_semaphore, #tpu.memory_space<semaphore_mem>> -> memref<1x!tpu.dma_semaphore, #tpu.memory_space<semaphore_mem>>
    %dma_wait3A_541 = tpu.memref_squeeze %dma_wait3A_540 : memref<1x!tpu.dma_semaphore, #tpu.memory_space<semaphore_mem>> -> memref<!tpu.dma_semaphore, #tpu.memory_space<semaphore_mem>>
    %dma_wait3A_542 = arith.constant 0 : i32
    %dma_wait3A_543 = arith.constant 0 : i32
    %dma_wait3A_544 = tpu.memref_slice %arg4[%add3A_509, %dma_wait3A_542, %dma_wait3A_543] : memref<8192x16x128xf32, #tpu.memory_space<hbm>> -> memref<16x16x128xf32, #tpu.memory_space<hbm>>
    %dma_wait3A_545 = arith.constant 0 : i32
    %dma_wait3A_546 = arith.constant 0 : i32
    %dma_wait3A_547 = arith.constant 0 : i32
    %dma_wait3A_548 = tpu.memref_slice %arg6[%dma_wait3A_530, %dma_wait3A_545, %dma_wait3A_546, %dma_wait3A_547] : memref<2x16x16x128xf32, #tpu.memory_space<vmem>> -> memref<1x16x16x128xf32, #tpu.memory_space<vmem>>
    %dma_wait3A_549 = tpu.memref_squeeze %dma_wait3A_548 : memref<1x16x16x128xf32, #tpu.memory_space<vmem>> -> memref<16x16x128xf32, #tpu.memory_space<vmem>>
    tpu.wait_dma2 semaphore(%dma_wait3A_541 : memref<!tpu.dma_semaphore, #tpu.memory_space<semaphore_mem>>) src(%dma_wait3A_549 : memref<16x16x128xf32, #tpu.memory_space<vmem>>) dst(%dma_wait3A_544 : memref<16x16x128xf32, #tpu.memory_space<hbm>>)
    %dma_start3A_550 = arith.constant 8 : i32
    %dma_start3A_551 = arith.constant 0 : i32
    %dma_start3A_552 = arith.constant 0 : i32
    %dma_start3A_553 = arith.constant 0 : i32
    %dma_start3A_554 = arith.constant 0 : i32
    %dma_start3A_555 = arith.constant 0 : i32
    %dma_start3A_556 = tpu.memref_slice %arg6[%dma_start3A_551, %dma_start3A_553, %dma_start3A_554, %dma_start3A_555] : memref<2x16x16x128xf32, #tpu.memory_space<vmem>> -> memref<1x16x16x128xf32, #tpu.memory_space<vmem>>
    %dma_start3A_557 = tpu.memref_squeeze %dma_start3A_556 : memref<1x16x16x128xf32, #tpu.memory_space<vmem>> -> memref<16x16x128xf32, #tpu.memory_space<vmem>>
    %dma_start3A_558 = arith.constant 0 : i32
    %dma_start3A_559 = tpu.memref_slice %arg5[%dma_start3A_550, %dma_start3A_558] : memref<16x16xi32, #tpu.memory_space<vmem>> -> memref<1x16xi32, #tpu.memory_space<vmem>>
    %dma_start3A_560 = tpu.memref_squeeze %dma_start3A_559 : memref<1x16xi32, #tpu.memory_space<vmem>> -> memref<16xi32, #tpu.memory_space<vmem>>
    %dma_start3A_561 = arith.constant 0 : i32
    %dma_start3A_562 = arith.constant 0 : i32
    %dma_start3A_563 = arith.constant 0 : i32
    %dma_start3A_564 = tpu.memref_slice %arg2[%dma_start3A_561, %dma_start3A_562, %dma_start3A_563] : memref<8192x16x128xf32, #tpu.memory_space<hbm>> -> memref<8192x16x128xf32, #tpu.memory_space<hbm>>
    %dma_start3A_565 = tpu.memref_slice %arg7[%dma_start3A_552] : memref<2x!tpu.dma_semaphore, #tpu.memory_space<semaphore_mem>> -> memref<1x!tpu.dma_semaphore, #tpu.memory_space<semaphore_mem>>
    %dma_start3A_566 = tpu.memref_squeeze %dma_start3A_565 : memref<1x!tpu.dma_semaphore, #tpu.memory_space<semaphore_mem>> -> memref<!tpu.dma_semaphore, #tpu.memory_space<semaphore_mem>>
    tpu.enqueue_indirect_dma source(%dma_start3A_564 : memref<8192x16x128xf32, #tpu.memory_space<hbm>>) target(%dma_start3A_557 : memref<16x16x128xf32, #tpu.memory_space<vmem>>) offsets(%dma_start3A_560 : memref<16xi32, #tpu.memory_space<vmem>>) semaphore(%dma_start3A_566 : memref<!tpu.dma_semaphore, #tpu.memory_space<semaphore_mem>>)
    %dma_wait3A_567 = arith.constant 7 : i32
    %dma_wait3A_568 = arith.constant 1 : i32
    %dma_wait3A_569 = arith.constant 1 : i32
    %dma_wait3A_570 = arith.constant 0 : i32
    %dma_wait3A_571 = arith.constant 0 : i32
    %dma_wait3A_572 = arith.constant 0 : i32
    %dma_wait3A_573 = tpu.memref_slice %arg6[%dma_wait3A_568, %dma_wait3A_570, %dma_wait3A_571, %dma_wait3A_572] : memref<2x16x16x128xf32, #tpu.memory_space<vmem>> -> memref<1x16x16x128xf32, #tpu.memory_space<vmem>>
    %dma_wait3A_574 = tpu.memref_squeeze %dma_wait3A_573 : memref<1x16x16x128xf32, #tpu.memory_space<vmem>> -> memref<16x16x128xf32, #tpu.memory_space<vmem>>
    %dma_wait3A_575 = arith.constant 0 : i32
    %dma_wait3A_576 = tpu.memref_slice %arg5[%dma_wait3A_567, %dma_wait3A_575] : memref<16x16xi32, #tpu.memory_space<vmem>> -> memref<1x16xi32, #tpu.memory_space<vmem>>
    %dma_wait3A_577 = tpu.memref_squeeze %dma_wait3A_576 : memref<1x16xi32, #tpu.memory_space<vmem>> -> memref<16xi32, #tpu.memory_space<vmem>>
    %dma_wait3A_578 = arith.constant 0 : i32
    %dma_wait3A_579 = arith.constant 0 : i32
    %dma_wait3A_580 = arith.constant 0 : i32
    %dma_wait3A_581 = tpu.memref_slice %arg2[%dma_wait3A_578, %dma_wait3A_579, %dma_wait3A_580] : memref<8192x16x128xf32, #tpu.memory_space<hbm>> -> memref<8192x16x128xf32, #tpu.memory_space<hbm>>
    %dma_wait3A_582 = tpu.memref_slice %arg7[%dma_wait3A_569] : memref<2x!tpu.dma_semaphore, #tpu.memory_space<semaphore_mem>> -> memref<1x!tpu.dma_semaphore, #tpu.memory_space<semaphore_mem>>
    %dma_wait3A_583 = tpu.memref_squeeze %dma_wait3A_582 : memref<1x!tpu.dma_semaphore, #tpu.memory_space<semaphore_mem>> -> memref<!tpu.dma_semaphore, #tpu.memory_space<semaphore_mem>>
    tpu.wait_indirect_dma semaphore(%dma_wait3A_583 : memref<!tpu.dma_semaphore, #tpu.memory_space<semaphore_mem>>) src(%dma_wait3A_581 : memref<8192x16x128xf32, #tpu.memory_space<hbm>>) dst(%dma_wait3A_574 : memref<16x16x128xf32, #tpu.memory_space<vmem>>)
    %add3A_584 = arith.constant 112 : i32
    %add3A_585 = arith.addi %mul3A_2, %add3A_584 : i32
    %dma_start3A_586 = arith.constant 1 : i32
    %dma_start3A_587 = arith.constant 1 : i32
    %dma_start3A_588 = arith.constant 0 : i32
    %dma_start3A_589 = arith.constant 0 : i32
    %dma_start3A_590 = arith.constant 0 : i32
    %dma_start3A_591 = tpu.memref_slice %arg6[%dma_start3A_586, %dma_start3A_588, %dma_start3A_589, %dma_start3A_590] : memref<2x16x16x128xf32, #tpu.memory_space<vmem>> -> memref<1x16x16x128xf32, #tpu.memory_space<vmem>>
    %dma_start3A_592 = tpu.memref_squeeze %dma_start3A_591 : memref<1x16x16x128xf32, #tpu.memory_space<vmem>> -> memref<16x16x128xf32, #tpu.memory_space<vmem>>
    %dma_start3A_593 = arith.constant 0 : i32
    %dma_start3A_594 = arith.constant 0 : i32
    %dma_start3A_595 = tpu.memref_slice %arg4[%add3A_585, %dma_start3A_593, %dma_start3A_594] : memref<8192x16x128xf32, #tpu.memory_space<hbm>> -> memref<16x16x128xf32, #tpu.memory_space<hbm>>
    %dma_start3A_596 = tpu.memref_slice %arg8[%dma_start3A_587] : memref<2x!tpu.dma_semaphore, #tpu.memory_space<semaphore_mem>> -> memref<1x!tpu.dma_semaphore, #tpu.memory_space<semaphore_mem>>
    %dma_start3A_597 = tpu.memref_squeeze %dma_start3A_596 : memref<1x!tpu.dma_semaphore, #tpu.memory_space<semaphore_mem>> -> memref<!tpu.dma_semaphore, #tpu.memory_space<semaphore_mem>>
    %dma_start3A_598 = arith.constant 0 : i32
    %dma_start3A_599 = arith.constant 0 : i32
    %dma_start3A_600 = tpu.memref_slice %arg4[%add3A_585, %dma_start3A_598, %dma_start3A_599] : memref<8192x16x128xf32, #tpu.memory_space<hbm>> -> memref<16x16x128xf32, #tpu.memory_space<hbm>>
    %dma_start3A_601 = arith.constant 0 : i32
    %dma_start3A_602 = arith.constant 0 : i32
    %dma_start3A_603 = arith.constant 0 : i32
    %dma_start3A_604 = tpu.memref_slice %arg6[%dma_start3A_586, %dma_start3A_601, %dma_start3A_602, %dma_start3A_603] : memref<2x16x16x128xf32, #tpu.memory_space<vmem>> -> memref<1x16x16x128xf32, #tpu.memory_space<vmem>>
    %dma_start3A_605 = tpu.memref_squeeze %dma_start3A_604 : memref<1x16x16x128xf32, #tpu.memory_space<vmem>> -> memref<16x16x128xf32, #tpu.memory_space<vmem>>
    tpu.enqueue_dma source(%dma_start3A_605 : memref<16x16x128xf32, #tpu.memory_space<vmem>>) target(%dma_start3A_600 : memref<16x16x128xf32, #tpu.memory_space<hbm>>) target_semaphore(%dma_start3A_597 : memref<!tpu.dma_semaphore, #tpu.memory_space<semaphore_mem>>)
    %dma_wait3A_606 = arith.constant 1 : i32
    %dma_wait3A_607 = arith.constant 1 : i32
    %dma_wait3A_608 = arith.constant 0 : i32
    %dma_wait3A_609 = arith.constant 0 : i32
    %dma_wait3A_610 = arith.constant 0 : i32
    %dma_wait3A_611 = tpu.memref_slice %arg6[%dma_wait3A_606, %dma_wait3A_608, %dma_wait3A_609, %dma_wait3A_610] : memref<2x16x16x128xf32, #tpu.memory_space<vmem>> -> memref<1x16x16x128xf32, #tpu.memory_space<vmem>>
    %dma_wait3A_612 = tpu.memref_squeeze %dma_wait3A_611 : memref<1x16x16x128xf32, #tpu.memory_space<vmem>> -> memref<16x16x128xf32, #tpu.memory_space<vmem>>
    %dma_wait3A_613 = arith.constant 0 : i32
    %dma_wait3A_614 = arith.constant 0 : i32
    %dma_wait3A_615 = tpu.memref_slice %arg4[%add3A_585, %dma_wait3A_613, %dma_wait3A_614] : memref<8192x16x128xf32, #tpu.memory_space<hbm>> -> memref<16x16x128xf32, #tpu.memory_space<hbm>>
    %dma_wait3A_616 = tpu.memref_slice %arg8[%dma_wait3A_607] : memref<2x!tpu.dma_semaphore, #tpu.memory_space<semaphore_mem>> -> memref<1x!tpu.dma_semaphore, #tpu.memory_space<semaphore_mem>>
    %dma_wait3A_617 = tpu.memref_squeeze %dma_wait3A_616 : memref<1x!tpu.dma_semaphore, #tpu.memory_space<semaphore_mem>> -> memref<!tpu.dma_semaphore, #tpu.memory_space<semaphore_mem>>
    %dma_wait3A_618 = arith.constant 0 : i32
    %dma_wait3A_619 = arith.constant 0 : i32
    %dma_wait3A_620 = tpu.memref_slice %arg4[%add3A_585, %dma_wait3A_618, %dma_wait3A_619] : memref<8192x16x128xf32, #tpu.memory_space<hbm>> -> memref<16x16x128xf32, #tpu.memory_space<hbm>>
    %dma_wait3A_621 = arith.constant 0 : i32
    %dma_wait3A_622 = arith.constant 0 : i32
    %dma_wait3A_623 = arith.constant 0 : i32
    %dma_wait3A_624 = tpu.memref_slice %arg6[%dma_wait3A_606, %dma_wait3A_621, %dma_wait3A_622, %dma_wait3A_623] : memref<2x16x16x128xf32, #tpu.memory_space<vmem>> -> memref<1x16x16x128xf32, #tpu.memory_space<vmem>>
    %dma_wait3A_625 = tpu.memref_squeeze %dma_wait3A_624 : memref<1x16x16x128xf32, #tpu.memory_space<vmem>> -> memref<16x16x128xf32, #tpu.memory_space<vmem>>
    tpu.wait_dma2 semaphore(%dma_wait3A_617 : memref<!tpu.dma_semaphore, #tpu.memory_space<semaphore_mem>>) src(%dma_wait3A_625 : memref<16x16x128xf32, #tpu.memory_space<vmem>>) dst(%dma_wait3A_620 : memref<16x16x128xf32, #tpu.memory_space<hbm>>)
    %dma_start3A_626 = arith.constant 9 : i32
    %dma_start3A_627 = arith.constant 1 : i32
    %dma_start3A_628 = arith.constant 1 : i32
    %dma_start3A_629 = arith.constant 0 : i32
    %dma_start3A_630 = arith.constant 0 : i32
    %dma_start3A_631 = arith.constant 0 : i32
    %dma_start3A_632 = tpu.memref_slice %arg6[%dma_start3A_627, %dma_start3A_629, %dma_start3A_630, %dma_start3A_631] : memref<2x16x16x128xf32, #tpu.memory_space<vmem>> -> memref<1x16x16x128xf32, #tpu.memory_space<vmem>>
    %dma_start3A_633 = tpu.memref_squeeze %dma_start3A_632 : memref<1x16x16x128xf32, #tpu.memory_space<vmem>> -> memref<16x16x128xf32, #tpu.memory_space<vmem>>
    %dma_start3A_634 = arith.constant 0 : i32
    %dma_start3A_635 = tpu.memref_slice %arg5[%dma_start3A_626, %dma_start3A_634] : memref<16x16xi32, #tpu.memory_space<vmem>> -> memref<1x16xi32, #tpu.memory_space<vmem>>
    %dma_start3A_636 = tpu.memref_squeeze %dma_start3A_635 : memref<1x16xi32, #tpu.memory_space<vmem>> -> memref<16xi32, #tpu.memory_space<vmem>>
    %dma_start3A_637 = arith.constant 0 : i32
    %dma_start3A_638 = arith.constant 0 : i32
    %dma_start3A_639 = arith.constant 0 : i32
    %dma_start3A_640 = tpu.memref_slice %arg2[%dma_start3A_637, %dma_start3A_638, %dma_start3A_639] : memref<8192x16x128xf32, #tpu.memory_space<hbm>> -> memref<8192x16x128xf32, #tpu.memory_space<hbm>>
    %dma_start3A_641 = tpu.memref_slice %arg7[%dma_start3A_628] : memref<2x!tpu.dma_semaphore, #tpu.memory_space<semaphore_mem>> -> memref<1x!tpu.dma_semaphore, #tpu.memory_space<semaphore_mem>>
    %dma_start3A_642 = tpu.memref_squeeze %dma_start3A_641 : memref<1x!tpu.dma_semaphore, #tpu.memory_space<semaphore_mem>> -> memref<!tpu.dma_semaphore, #tpu.memory_space<semaphore_mem>>
    tpu.enqueue_indirect_dma source(%dma_start3A_640 : memref<8192x16x128xf32, #tpu.memory_space<hbm>>) target(%dma_start3A_633 : memref<16x16x128xf32, #tpu.memory_space<vmem>>) offsets(%dma_start3A_636 : memref<16xi32, #tpu.memory_space<vmem>>) semaphore(%dma_start3A_642 : memref<!tpu.dma_semaphore, #tpu.memory_space<semaphore_mem>>)
    %dma_wait3A_643 = arith.constant 8 : i32
    %dma_wait3A_644 = arith.constant 0 : i32
    %dma_wait3A_645 = arith.constant 0 : i32
    %dma_wait3A_646 = arith.constant 0 : i32
    %dma_wait3A_647 = arith.constant 0 : i32
    %dma_wait3A_648 = arith.constant 0 : i32
    %dma_wait3A_649 = tpu.memref_slice %arg6[%dma_wait3A_644, %dma_wait3A_646, %dma_wait3A_647, %dma_wait3A_648] : memref<2x16x16x128xf32, #tpu.memory_space<vmem>> -> memref<1x16x16x128xf32, #tpu.memory_space<vmem>>
    %dma_wait3A_650 = tpu.memref_squeeze %dma_wait3A_649 : memref<1x16x16x128xf32, #tpu.memory_space<vmem>> -> memref<16x16x128xf32, #tpu.memory_space<vmem>>
    %dma_wait3A_651 = arith.constant 0 : i32
    %dma_wait3A_652 = tpu.memref_slice %arg5[%dma_wait3A_643, %dma_wait3A_651] : memref<16x16xi32, #tpu.memory_space<vmem>> -> memref<1x16xi32, #tpu.memory_space<vmem>>
    %dma_wait3A_653 = tpu.memref_squeeze %dma_wait3A_652 : memref<1x16xi32, #tpu.memory_space<vmem>> -> memref<16xi32, #tpu.memory_space<vmem>>
    %dma_wait3A_654 = arith.constant 0 : i32
    %dma_wait3A_655 = arith.constant 0 : i32
    %dma_wait3A_656 = arith.constant 0 : i32
    %dma_wait3A_657 = tpu.memref_slice %arg2[%dma_wait3A_654, %dma_wait3A_655, %dma_wait3A_656] : memref<8192x16x128xf32, #tpu.memory_space<hbm>> -> memref<8192x16x128xf32, #tpu.memory_space<hbm>>
    %dma_wait3A_658 = tpu.memref_slice %arg7[%dma_wait3A_645] : memref<2x!tpu.dma_semaphore, #tpu.memory_space<semaphore_mem>> -> memref<1x!tpu.dma_semaphore, #tpu.memory_space<semaphore_mem>>
    %dma_wait3A_659 = tpu.memref_squeeze %dma_wait3A_658 : memref<1x!tpu.dma_semaphore, #tpu.memory_space<semaphore_mem>> -> memref<!tpu.dma_semaphore, #tpu.memory_space<semaphore_mem>>
    tpu.wait_indirect_dma semaphore(%dma_wait3A_659 : memref<!tpu.dma_semaphore, #tpu.memory_space<semaphore_mem>>) src(%dma_wait3A_657 : memref<8192x16x128xf32, #tpu.memory_space<hbm>>) dst(%dma_wait3A_650 : memref<16x16x128xf32, #tpu.memory_space<vmem>>)
    %add3A_660 = arith.constant 128 : i32
    %add3A_661 = arith.addi %mul3A_2, %add3A_660 : i32
    %dma_start3A_662 = arith.constant 0 : i32
    %dma_start3A_663 = arith.constant 0 : i32
    %dma_start3A_664 = arith.constant 0 : i32
    %dma_start3A_665 = arith.constant 0 : i32
    %dma_start3A_666 = arith.constant 0 : i32
    %dma_start3A_667 = tpu.memref_slice %arg6[%dma_start3A_662, %dma_start3A_664, %dma_start3A_665, %dma_start3A_666] : memref<2x16x16x128xf32, #tpu.memory_space<vmem>> -> memref<1x16x16x128xf32, #tpu.memory_space<vmem>>
    %dma_start3A_668 = tpu.memref_squeeze %dma_start3A_667 : memref<1x16x16x128xf32, #tpu.memory_space<vmem>> -> memref<16x16x128xf32, #tpu.memory_space<vmem>>
    %dma_start3A_669 = arith.constant 0 : i32
    %dma_start3A_670 = arith.constant 0 : i32
    %dma_start3A_671 = tpu.memref_slice %arg4[%add3A_661, %dma_start3A_669, %dma_start3A_670] : memref<8192x16x128xf32, #tpu.memory_space<hbm>> -> memref<16x16x128xf32, #tpu.memory_space<hbm>>
    %dma_start3A_672 = tpu.memref_slice %arg8[%dma_start3A_663] : memref<2x!tpu.dma_semaphore, #tpu.memory_space<semaphore_mem>> -> memref<1x!tpu.dma_semaphore, #tpu.memory_space<semaphore_mem>>
    %dma_start3A_673 = tpu.memref_squeeze %dma_start3A_672 : memref<1x!tpu.dma_semaphore, #tpu.memory_space<semaphore_mem>> -> memref<!tpu.dma_semaphore, #tpu.memory_space<semaphore_mem>>
    %dma_start3A_674 = arith.constant 0 : i32
    %dma_start3A_675 = arith.constant 0 : i32
    %dma_start3A_676 = tpu.memref_slice %arg4[%add3A_661, %dma_start3A_674, %dma_start3A_675] : memref<8192x16x128xf32, #tpu.memory_space<hbm>> -> memref<16x16x128xf32, #tpu.memory_space<hbm>>
    %dma_start3A_677 = arith.constant 0 : i32
    %dma_start3A_678 = arith.constant 0 : i32
    %dma_start3A_679 = arith.constant 0 : i32
    %dma_start3A_680 = tpu.memref_slice %arg6[%dma_start3A_662, %dma_start3A_677, %dma_start3A_678, %dma_start3A_679] : memref<2x16x16x128xf32, #tpu.memory_space<vmem>> -> memref<1x16x16x128xf32, #tpu.memory_space<vmem>>
    %dma_start3A_681 = tpu.memref_squeeze %dma_start3A_680 : memref<1x16x16x128xf32, #tpu.memory_space<vmem>> -> memref<16x16x128xf32, #tpu.memory_space<vmem>>
    tpu.enqueue_dma source(%dma_start3A_681 : memref<16x16x128xf32, #tpu.memory_space<vmem>>) target(%dma_start3A_676 : memref<16x16x128xf32, #tpu.memory_space<hbm>>) target_semaphore(%dma_start3A_673 : memref<!tpu.dma_semaphore, #tpu.memory_space<semaphore_mem>>)
    %dma_wait3A_682 = arith.constant 0 : i32
    %dma_wait3A_683 = arith.constant 0 : i32
    %dma_wait3A_684 = arith.constant 0 : i32
    %dma_wait3A_685 = arith.constant 0 : i32
    %dma_wait3A_686 = arith.constant 0 : i32
    %dma_wait3A_687 = tpu.memref_slice %arg6[%dma_wait3A_682, %dma_wait3A_684, %dma_wait3A_685, %dma_wait3A_686] : memref<2x16x16x128xf32, #tpu.memory_space<vmem>> -> memref<1x16x16x128xf32, #tpu.memory_space<vmem>>
    %dma_wait3A_688 = tpu.memref_squeeze %dma_wait3A_687 : memref<1x16x16x128xf32, #tpu.memory_space<vmem>> -> memref<16x16x128xf32, #tpu.memory_space<vmem>>
    %dma_wait3A_689 = arith.constant 0 : i32
    %dma_wait3A_690 = arith.constant 0 : i32
    %dma_wait3A_691 = tpu.memref_slice %arg4[%add3A_661, %dma_wait3A_689, %dma_wait3A_690] : memref<8192x16x128xf32, #tpu.memory_space<hbm>> -> memref<16x16x128xf32, #tpu.memory_space<hbm>>
    %dma_wait3A_692 = tpu.memref_slice %arg8[%dma_wait3A_683] : memref<2x!tpu.dma_semaphore, #tpu.memory_space<semaphore_mem>> -> memref<1x!tpu.dma_semaphore, #tpu.memory_space<semaphore_mem>>
    %dma_wait3A_693 = tpu.memref_squeeze %dma_wait3A_692 : memref<1x!tpu.dma_semaphore, #tpu.memory_space<semaphore_mem>> -> memref<!tpu.dma_semaphore, #tpu.memory_space<semaphore_mem>>
    %dma_wait3A_694 = arith.constant 0 : i32
    %dma_wait3A_695 = arith.constant 0 : i32
    %dma_wait3A_696 = tpu.memref_slice %arg4[%add3A_661, %dma_wait3A_694, %dma_wait3A_695] : memref<8192x16x128xf32, #tpu.memory_space<hbm>> -> memref<16x16x128xf32, #tpu.memory_space<hbm>>
    %dma_wait3A_697 = arith.constant 0 : i32
    %dma_wait3A_698 = arith.constant 0 : i32
    %dma_wait3A_699 = arith.constant 0 : i32
    %dma_wait3A_700 = tpu.memref_slice %arg6[%dma_wait3A_682, %dma_wait3A_697, %dma_wait3A_698, %dma_wait3A_699] : memref<2x16x16x128xf32, #tpu.memory_space<vmem>> -> memref<1x16x16x128xf32, #tpu.memory_space<vmem>>
    %dma_wait3A_701 = tpu.memref_squeeze %dma_wait3A_700 : memref<1x16x16x128xf32, #tpu.memory_space<vmem>> -> memref<16x16x128xf32, #tpu.memory_space<vmem>>
    tpu.wait_dma2 semaphore(%dma_wait3A_693 : memref<!tpu.dma_semaphore, #tpu.memory_space<semaphore_mem>>) src(%dma_wait3A_701 : memref<16x16x128xf32, #tpu.memory_space<vmem>>) dst(%dma_wait3A_696 : memref<16x16x128xf32, #tpu.memory_space<hbm>>)
    %dma_start3A_702 = arith.constant 10 : i32
    %dma_start3A_703 = arith.constant 0 : i32
    %dma_start3A_704 = arith.constant 0 : i32
    %dma_start3A_705 = arith.constant 0 : i32
    %dma_start3A_706 = arith.constant 0 : i32
    %dma_start3A_707 = arith.constant 0 : i32
    %dma_start3A_708 = tpu.memref_slice %arg6[%dma_start3A_703, %dma_start3A_705, %dma_start3A_706, %dma_start3A_707] : memref<2x16x16x128xf32, #tpu.memory_space<vmem>> -> memref<1x16x16x128xf32, #tpu.memory_space<vmem>>
    %dma_start3A_709 = tpu.memref_squeeze %dma_start3A_708 : memref<1x16x16x128xf32, #tpu.memory_space<vmem>> -> memref<16x16x128xf32, #tpu.memory_space<vmem>>
    %dma_start3A_710 = arith.constant 0 : i32
    %dma_start3A_711 = tpu.memref_slice %arg5[%dma_start3A_702, %dma_start3A_710] : memref<16x16xi32, #tpu.memory_space<vmem>> -> memref<1x16xi32, #tpu.memory_space<vmem>>
    %dma_start3A_712 = tpu.memref_squeeze %dma_start3A_711 : memref<1x16xi32, #tpu.memory_space<vmem>> -> memref<16xi32, #tpu.memory_space<vmem>>
    %dma_start3A_713 = arith.constant 0 : i32
    %dma_start3A_714 = arith.constant 0 : i32
    %dma_start3A_715 = arith.constant 0 : i32
    %dma_start3A_716 = tpu.memref_slice %arg2[%dma_start3A_713, %dma_start3A_714, %dma_start3A_715] : memref<8192x16x128xf32, #tpu.memory_space<hbm>> -> memref<8192x16x128xf32, #tpu.memory_space<hbm>>
    %dma_start3A_717 = tpu.memref_slice %arg7[%dma_start3A_704] : memref<2x!tpu.dma_semaphore, #tpu.memory_space<semaphore_mem>> -> memref<1x!tpu.dma_semaphore, #tpu.memory_space<semaphore_mem>>
    %dma_start3A_718 = tpu.memref_squeeze %dma_start3A_717 : memref<1x!tpu.dma_semaphore, #tpu.memory_space<semaphore_mem>> -> memref<!tpu.dma_semaphore, #tpu.memory_space<semaphore_mem>>
    tpu.enqueue_indirect_dma source(%dma_start3A_716 : memref<8192x16x128xf32, #tpu.memory_space<hbm>>) target(%dma_start3A_709 : memref<16x16x128xf32, #tpu.memory_space<vmem>>) offsets(%dma_start3A_712 : memref<16xi32, #tpu.memory_space<vmem>>) semaphore(%dma_start3A_718 : memref<!tpu.dma_semaphore, #tpu.memory_space<semaphore_mem>>)
    %dma_wait3A_719 = arith.constant 9 : i32
    %dma_wait3A_720 = arith.constant 1 : i32
    %dma_wait3A_721 = arith.constant 1 : i32
    %dma_wait3A_722 = arith.constant 0 : i32
    %dma_wait3A_723 = arith.constant 0 : i32
    %dma_wait3A_724 = arith.constant 0 : i32
    %dma_wait3A_725 = tpu.memref_slice %arg6[%dma_wait3A_720, %dma_wait3A_722, %dma_wait3A_723, %dma_wait3A_724] : memref<2x16x16x128xf32, #tpu.memory_space<vmem>> -> memref<1x16x16x128xf32, #tpu.memory_space<vmem>>
    %dma_wait3A_726 = tpu.memref_squeeze %dma_wait3A_725 : memref<1x16x16x128xf32, #tpu.memory_space<vmem>> -> memref<16x16x128xf32, #tpu.memory_space<vmem>>
    %dma_wait3A_727 = arith.constant 0 : i32
    %dma_wait3A_728 = tpu.memref_slice %arg5[%dma_wait3A_719, %dma_wait3A_727] : memref<16x16xi32, #tpu.memory_space<vmem>> -> memref<1x16xi32, #tpu.memory_space<vmem>>
    %dma_wait3A_729 = tpu.memref_squeeze %dma_wait3A_728 : memref<1x16xi32, #tpu.memory_space<vmem>> -> memref<16xi32, #tpu.memory_space<vmem>>
    %dma_wait3A_730 = arith.constant 0 : i32
    %dma_wait3A_731 = arith.constant 0 : i32
    %dma_wait3A_732 = arith.constant 0 : i32
    %dma_wait3A_733 = tpu.memref_slice %arg2[%dma_wait3A_730, %dma_wait3A_731, %dma_wait3A_732] : memref<8192x16x128xf32, #tpu.memory_space<hbm>> -> memref<8192x16x128xf32, #tpu.memory_space<hbm>>
    %dma_wait3A_734 = tpu.memref_slice %arg7[%dma_wait3A_721] : memref<2x!tpu.dma_semaphore, #tpu.memory_space<semaphore_mem>> -> memref<1x!tpu.dma_semaphore, #tpu.memory_space<semaphore_mem>>
    %dma_wait3A_735 = tpu.memref_squeeze %dma_wait3A_734 : memref<1x!tpu.dma_semaphore, #tpu.memory_space<semaphore_mem>> -> memref<!tpu.dma_semaphore, #tpu.memory_space<semaphore_mem>>
    tpu.wait_indirect_dma semaphore(%dma_wait3A_735 : memref<!tpu.dma_semaphore, #tpu.memory_space<semaphore_mem>>) src(%dma_wait3A_733 : memref<8192x16x128xf32, #tpu.memory_space<hbm>>) dst(%dma_wait3A_726 : memref<16x16x128xf32, #tpu.memory_space<vmem>>)
    %add3A_736 = arith.constant 144 : i32
    %add3A_737 = arith.addi %mul3A_2, %add3A_736 : i32
    %dma_start3A_738 = arith.constant 1 : i32
    %dma_start3A_739 = arith.constant 1 : i32
    %dma_start3A_740 = arith.constant 0 : i32
    %dma_start3A_741 = arith.constant 0 : i32
    %dma_start3A_742 = arith.constant 0 : i32
    %dma_start3A_743 = tpu.memref_slice %arg6[%dma_start3A_738, %dma_start3A_740, %dma_start3A_741, %dma_start3A_742] : memref<2x16x16x128xf32, #tpu.memory_space<vmem>> -> memref<1x16x16x128xf32, #tpu.memory_space<vmem>>
    %dma_start3A_744 = tpu.memref_squeeze %dma_start3A_743 : memref<1x16x16x128xf32, #tpu.memory_space<vmem>> -> memref<16x16x128xf32, #tpu.memory_space<vmem>>
    %dma_start3A_745 = arith.constant 0 : i32
    %dma_start3A_746 = arith.constant 0 : i32
    %dma_start3A_747 = tpu.memref_slice %arg4[%add3A_737, %dma_start3A_745, %dma_start3A_746] : memref<8192x16x128xf32, #tpu.memory_space<hbm>> -> memref<16x16x128xf32, #tpu.memory_space<hbm>>
    %dma_start3A_748 = tpu.memref_slice %arg8[%dma_start3A_739] : memref<2x!tpu.dma_semaphore, #tpu.memory_space<semaphore_mem>> -> memref<1x!tpu.dma_semaphore, #tpu.memory_space<semaphore_mem>>
    %dma_start3A_749 = tpu.memref_squeeze %dma_start3A_748 : memref<1x!tpu.dma_semaphore, #tpu.memory_space<semaphore_mem>> -> memref<!tpu.dma_semaphore, #tpu.memory_space<semaphore_mem>>
    %dma_start3A_750 = arith.constant 0 : i32
    %dma_start3A_751 = arith.constant 0 : i32
    %dma_start3A_752 = tpu.memref_slice %arg4[%add3A_737, %dma_start3A_750, %dma_start3A_751] : memref<8192x16x128xf32, #tpu.memory_space<hbm>> -> memref<16x16x128xf32, #tpu.memory_space<hbm>>
    %dma_start3A_753 = arith.constant 0 : i32
    %dma_start3A_754 = arith.constant 0 : i32
    %dma_start3A_755 = arith.constant 0 : i32
    %dma_start3A_756 = tpu.memref_slice %arg6[%dma_start3A_738, %dma_start3A_753, %dma_start3A_754, %dma_start3A_755] : memref<2x16x16x128xf32, #tpu.memory_space<vmem>> -> memref<1x16x16x128xf32, #tpu.memory_space<vmem>>
    %dma_start3A_757 = tpu.memref_squeeze %dma_start3A_756 : memref<1x16x16x128xf32, #tpu.memory_space<vmem>> -> memref<16x16x128xf32, #tpu.memory_space<vmem>>
    tpu.enqueue_dma source(%dma_start3A_757 : memref<16x16x128xf32, #tpu.memory_space<vmem>>) target(%dma_start3A_752 : memref<16x16x128xf32, #tpu.memory_space<hbm>>) target_semaphore(%dma_start3A_749 : memref<!tpu.dma_semaphore, #tpu.memory_space<semaphore_mem>>)
    %dma_wait3A_758 = arith.constant 1 : i32
    %dma_wait3A_759 = arith.constant 1 : i32
    %dma_wait3A_760 = arith.constant 0 : i32
    %dma_wait3A_761 = arith.constant 0 : i32
    %dma_wait3A_762 = arith.constant 0 : i32
    %dma_wait3A_763 = tpu.memref_slice %arg6[%dma_wait3A_758, %dma_wait3A_760, %dma_wait3A_761, %dma_wait3A_762] : memref<2x16x16x128xf32, #tpu.memory_space<vmem>> -> memref<1x16x16x128xf32, #tpu.memory_space<vmem>>
    %dma_wait3A_764 = tpu.memref_squeeze %dma_wait3A_763 : memref<1x16x16x128xf32, #tpu.memory_space<vmem>> -> memref<16x16x128xf32, #tpu.memory_space<vmem>>
    %dma_wait3A_765 = arith.constant 0 : i32
    %dma_wait3A_766 = arith.constant 0 : i32
    %dma_wait3A_767 = tpu.memref_slice %arg4[%add3A_737, %dma_wait3A_765, %dma_wait3A_766] : memref<8192x16x128xf32, #tpu.memory_space<hbm>> -> memref<16x16x128xf32, #tpu.memory_space<hbm>>
    %dma_wait3A_768 = tpu.memref_slice %arg8[%dma_wait3A_759] : memref<2x!tpu.dma_semaphore, #tpu.memory_space<semaphore_mem>> -> memref<1x!tpu.dma_semaphore, #tpu.memory_space<semaphore_mem>>
    %dma_wait3A_769 = tpu.memref_squeeze %dma_wait3A_768 : memref<1x!tpu.dma_semaphore, #tpu.memory_space<semaphore_mem>> -> memref<!tpu.dma_semaphore, #tpu.memory_space<semaphore_mem>>
    %dma_wait3A_770 = arith.constant 0 : i32
    %dma_wait3A_771 = arith.constant 0 : i32
    %dma_wait3A_772 = tpu.memref_slice %arg4[%add3A_737, %dma_wait3A_770, %dma_wait3A_771] : memref<8192x16x128xf32, #tpu.memory_space<hbm>> -> memref<16x16x128xf32, #tpu.memory_space<hbm>>
    %dma_wait3A_773 = arith.constant 0 : i32
    %dma_wait3A_774 = arith.constant 0 : i32
    %dma_wait3A_775 = arith.constant 0 : i32
    %dma_wait3A_776 = tpu.memref_slice %arg6[%dma_wait3A_758, %dma_wait3A_773, %dma_wait3A_774, %dma_wait3A_775] : memref<2x16x16x128xf32, #tpu.memory_space<vmem>> -> memref<1x16x16x128xf32, #tpu.memory_space<vmem>>
    %dma_wait3A_777 = tpu.memref_squeeze %dma_wait3A_776 : memref<1x16x16x128xf32, #tpu.memory_space<vmem>> -> memref<16x16x128xf32, #tpu.memory_space<vmem>>
    tpu.wait_dma2 semaphore(%dma_wait3A_769 : memref<!tpu.dma_semaphore, #tpu.memory_space<semaphore_mem>>) src(%dma_wait3A_777 : memref<16x16x128xf32, #tpu.memory_space<vmem>>) dst(%dma_wait3A_772 : memref<16x16x128xf32, #tpu.memory_space<hbm>>)
    %dma_start3A_778 = arith.constant 11 : i32
    %dma_start3A_779 = arith.constant 1 : i32
    %dma_start3A_780 = arith.constant 1 : i32
    %dma_start3A_781 = arith.constant 0 : i32
    %dma_start3A_782 = arith.constant 0 : i32
    %dma_start3A_783 = arith.constant 0 : i32
    %dma_start3A_784 = tpu.memref_slice %arg6[%dma_start3A_779, %dma_start3A_781, %dma_start3A_782, %dma_start3A_783] : memref<2x16x16x128xf32, #tpu.memory_space<vmem>> -> memref<1x16x16x128xf32, #tpu.memory_space<vmem>>
    %dma_start3A_785 = tpu.memref_squeeze %dma_start3A_784 : memref<1x16x16x128xf32, #tpu.memory_space<vmem>> -> memref<16x16x128xf32, #tpu.memory_space<vmem>>
    %dma_start3A_786 = arith.constant 0 : i32
    %dma_start3A_787 = tpu.memref_slice %arg5[%dma_start3A_778, %dma_start3A_786] : memref<16x16xi32, #tpu.memory_space<vmem>> -> memref<1x16xi32, #tpu.memory_space<vmem>>
    %dma_start3A_788 = tpu.memref_squeeze %dma_start3A_787 : memref<1x16xi32, #tpu.memory_space<vmem>> -> memref<16xi32, #tpu.memory_space<vmem>>
    %dma_start3A_789 = arith.constant 0 : i32
    %dma_start3A_790 = arith.constant 0 : i32
    %dma_start3A_791 = arith.constant 0 : i32
    %dma_start3A_792 = tpu.memref_slice %arg2[%dma_start3A_789, %dma_start3A_790, %dma_start3A_791] : memref<8192x16x128xf32, #tpu.memory_space<hbm>> -> memref<8192x16x128xf32, #tpu.memory_space<hbm>>
    %dma_start3A_793 = tpu.memref_slice %arg7[%dma_start3A_780] : memref<2x!tpu.dma_semaphore, #tpu.memory_space<semaphore_mem>> -> memref<1x!tpu.dma_semaphore, #tpu.memory_space<semaphore_mem>>
    %dma_start3A_794 = tpu.memref_squeeze %dma_start3A_793 : memref<1x!tpu.dma_semaphore, #tpu.memory_space<semaphore_mem>> -> memref<!tpu.dma_semaphore, #tpu.memory_space<semaphore_mem>>
    tpu.enqueue_indirect_dma source(%dma_start3A_792 : memref<8192x16x128xf32, #tpu.memory_space<hbm>>) target(%dma_start3A_785 : memref<16x16x128xf32, #tpu.memory_space<vmem>>) offsets(%dma_start3A_788 : memref<16xi32, #tpu.memory_space<vmem>>) semaphore(%dma_start3A_794 : memref<!tpu.dma_semaphore, #tpu.memory_space<semaphore_mem>>)
    %dma_wait3A_795 = arith.constant 10 : i32
    %dma_wait3A_796 = arith.constant 0 : i32
    %dma_wait3A_797 = arith.constant 0 : i32
    %dma_wait3A_798 = arith.constant 0 : i32
    %dma_wait3A_799 = arith.constant 0 : i32
    %dma_wait3A_800 = arith.constant 0 : i32
    %dma_wait3A_801 = tpu.memref_slice %arg6[%dma_wait3A_796, %dma_wait3A_798, %dma_wait3A_799, %dma_wait3A_800] : memref<2x16x16x128xf32, #tpu.memory_space<vmem>> -> memref<1x16x16x128xf32, #tpu.memory_space<vmem>>
    %dma_wait3A_802 = tpu.memref_squeeze %dma_wait3A_801 : memref<1x16x16x128xf32, #tpu.memory_space<vmem>> -> memref<16x16x128xf32, #tpu.memory_space<vmem>>
    %dma_wait3A_803 = arith.constant 0 : i32
    %dma_wait3A_804 = tpu.memref_slice %arg5[%dma_wait3A_795, %dma_wait3A_803] : memref<16x16xi32, #tpu.memory_space<vmem>> -> memref<1x16xi32, #tpu.memory_space<vmem>>
    %dma_wait3A_805 = tpu.memref_squeeze %dma_wait3A_804 : memref<1x16xi32, #tpu.memory_space<vmem>> -> memref<16xi32, #tpu.memory_space<vmem>>
    %dma_wait3A_806 = arith.constant 0 : i32
    %dma_wait3A_807 = arith.constant 0 : i32
    %dma_wait3A_808 = arith.constant 0 : i32
    %dma_wait3A_809 = tpu.memref_slice %arg2[%dma_wait3A_806, %dma_wait3A_807, %dma_wait3A_808] : memref<8192x16x128xf32, #tpu.memory_space<hbm>> -> memref<8192x16x128xf32, #tpu.memory_space<hbm>>
    %dma_wait3A_810 = tpu.memref_slice %arg7[%dma_wait3A_797] : memref<2x!tpu.dma_semaphore, #tpu.memory_space<semaphore_mem>> -> memref<1x!tpu.dma_semaphore, #tpu.memory_space<semaphore_mem>>
    %dma_wait3A_811 = tpu.memref_squeeze %dma_wait3A_810 : memref<1x!tpu.dma_semaphore, #tpu.memory_space<semaphore_mem>> -> memref<!tpu.dma_semaphore, #tpu.memory_space<semaphore_mem>>
    tpu.wait_indirect_dma semaphore(%dma_wait3A_811 : memref<!tpu.dma_semaphore, #tpu.memory_space<semaphore_mem>>) src(%dma_wait3A_809 : memref<8192x16x128xf32, #tpu.memory_space<hbm>>) dst(%dma_wait3A_802 : memref<16x16x128xf32, #tpu.memory_space<vmem>>)
    %add3A_812 = arith.constant 160 : i32
    %add3A_813 = arith.addi %mul3A_2, %add3A_812 : i32
    %dma_start3A_814 = arith.constant 0 : i32
    %dma_start3A_815 = arith.constant 0 : i32
    %dma_start3A_816 = arith.constant 0 : i32
    %dma_start3A_817 = arith.constant 0 : i32
    %dma_start3A_818 = arith.constant 0 : i32
    %dma_start3A_819 = tpu.memref_slice %arg6[%dma_start3A_814, %dma_start3A_816, %dma_start3A_817, %dma_start3A_818] : memref<2x16x16x128xf32, #tpu.memory_space<vmem>> -> memref<1x16x16x128xf32, #tpu.memory_space<vmem>>
    %dma_start3A_820 = tpu.memref_squeeze %dma_start3A_819 : memref<1x16x16x128xf32, #tpu.memory_space<vmem>> -> memref<16x16x128xf32, #tpu.memory_space<vmem>>
    %dma_start3A_821 = arith.constant 0 : i32
    %dma_start3A_822 = arith.constant 0 : i32
    %dma_start3A_823 = tpu.memref_slice %arg4[%add3A_813, %dma_start3A_821, %dma_start3A_822] : memref<8192x16x128xf32, #tpu.memory_space<hbm>> -> memref<16x16x128xf32, #tpu.memory_space<hbm>>
    %dma_start3A_824 = tpu.memref_slice %arg8[%dma_start3A_815] : memref<2x!tpu.dma_semaphore, #tpu.memory_space<semaphore_mem>> -> memref<1x!tpu.dma_semaphore, #tpu.memory_space<semaphore_mem>>
    %dma_start3A_825 = tpu.memref_squeeze %dma_start3A_824 : memref<1x!tpu.dma_semaphore, #tpu.memory_space<semaphore_mem>> -> memref<!tpu.dma_semaphore, #tpu.memory_space<semaphore_mem>>
    %dma_start3A_826 = arith.constant 0 : i32
    %dma_start3A_827 = arith.constant 0 : i32
    %dma_start3A_828 = tpu.memref_slice %arg4[%add3A_813, %dma_start3A_826, %dma_start3A_827] : memref<8192x16x128xf32, #tpu.memory_space<hbm>> -> memref<16x16x128xf32, #tpu.memory_space<hbm>>
    %dma_start3A_829 = arith.constant 0 : i32
    %dma_start3A_830 = arith.constant 0 : i32
    %dma_start3A_831 = arith.constant 0 : i32
    %dma_start3A_832 = tpu.memref_slice %arg6[%dma_start3A_814, %dma_start3A_829, %dma_start3A_830, %dma_start3A_831] : memref<2x16x16x128xf32, #tpu.memory_space<vmem>> -> memref<1x16x16x128xf32, #tpu.memory_space<vmem>>
    %dma_start3A_833 = tpu.memref_squeeze %dma_start3A_832 : memref<1x16x16x128xf32, #tpu.memory_space<vmem>> -> memref<16x16x128xf32, #tpu.memory_space<vmem>>
    tpu.enqueue_dma source(%dma_start3A_833 : memref<16x16x128xf32, #tpu.memory_space<vmem>>) target(%dma_start3A_828 : memref<16x16x128xf32, #tpu.memory_space<hbm>>) target_semaphore(%dma_start3A_825 : memref<!tpu.dma_semaphore, #tpu.memory_space<semaphore_mem>>)
    %dma_wait3A_834 = arith.constant 0 : i32
    %dma_wait3A_835 = arith.constant 0 : i32
    %dma_wait3A_836 = arith.constant 0 : i32
    %dma_wait3A_837 = arith.constant 0 : i32
    %dma_wait3A_838 = arith.constant 0 : i32
    %dma_wait3A_839 = tpu.memref_slice %arg6[%dma_wait3A_834, %dma_wait3A_836, %dma_wait3A_837, %dma_wait3A_838] : memref<2x16x16x128xf32, #tpu.memory_space<vmem>> -> memref<1x16x16x128xf32, #tpu.memory_space<vmem>>
    %dma_wait3A_840 = tpu.memref_squeeze %dma_wait3A_839 : memref<1x16x16x128xf32, #tpu.memory_space<vmem>> -> memref<16x16x128xf32, #tpu.memory_space<vmem>>
    %dma_wait3A_841 = arith.constant 0 : i32
    %dma_wait3A_842 = arith.constant 0 : i32
    %dma_wait3A_843 = tpu.memref_slice %arg4[%add3A_813, %dma_wait3A_841, %dma_wait3A_842] : memref<8192x16x128xf32, #tpu.memory_space<hbm>> -> memref<16x16x128xf32, #tpu.memory_space<hbm>>
    %dma_wait3A_844 = tpu.memref_slice %arg8[%dma_wait3A_835] : memref<2x!tpu.dma_semaphore, #tpu.memory_space<semaphore_mem>> -> memref<1x!tpu.dma_semaphore, #tpu.memory_space<semaphore_mem>>
    %dma_wait3A_845 = tpu.memref_squeeze %dma_wait3A_844 : memref<1x!tpu.dma_semaphore, #tpu.memory_space<semaphore_mem>> -> memref<!tpu.dma_semaphore, #tpu.memory_space<semaphore_mem>>
    %dma_wait3A_846 = arith.constant 0 : i32
    %dma_wait3A_847 = arith.constant 0 : i32
    %dma_wait3A_848 = tpu.memref_slice %arg4[%add3A_813, %dma_wait3A_846, %dma_wait3A_847] : memref<8192x16x128xf32, #tpu.memory_space<hbm>> -> memref<16x16x128xf32, #tpu.memory_space<hbm>>
    %dma_wait3A_849 = arith.constant 0 : i32
    %dma_wait3A_850 = arith.constant 0 : i32
    %dma_wait3A_851 = arith.constant 0 : i32
    %dma_wait3A_852 = tpu.memref_slice %arg6[%dma_wait3A_834, %dma_wait3A_849, %dma_wait3A_850, %dma_wait3A_851] : memref<2x16x16x128xf32, #tpu.memory_space<vmem>> -> memref<1x16x16x128xf32, #tpu.memory_space<vmem>>
    %dma_wait3A_853 = tpu.memref_squeeze %dma_wait3A_852 : memref<1x16x16x128xf32, #tpu.memory_space<vmem>> -> memref<16x16x128xf32, #tpu.memory_space<vmem>>
    tpu.wait_dma2 semaphore(%dma_wait3A_845 : memref<!tpu.dma_semaphore, #tpu.memory_space<semaphore_mem>>) src(%dma_wait3A_853 : memref<16x16x128xf32, #tpu.memory_space<vmem>>) dst(%dma_wait3A_848 : memref<16x16x128xf32, #tpu.memory_space<hbm>>)
    %dma_start3A_854 = arith.constant 12 : i32
    %dma_start3A_855 = arith.constant 0 : i32
    %dma_start3A_856 = arith.constant 0 : i32
    %dma_start3A_857 = arith.constant 0 : i32
    %dma_start3A_858 = arith.constant 0 : i32
    %dma_start3A_859 = arith.constant 0 : i32
    %dma_start3A_860 = tpu.memref_slice %arg6[%dma_start3A_855, %dma_start3A_857, %dma_start3A_858, %dma_start3A_859] : memref<2x16x16x128xf32, #tpu.memory_space<vmem>> -> memref<1x16x16x128xf32, #tpu.memory_space<vmem>>
    %dma_start3A_861 = tpu.memref_squeeze %dma_start3A_860 : memref<1x16x16x128xf32, #tpu.memory_space<vmem>> -> memref<16x16x128xf32, #tpu.memory_space<vmem>>
    %dma_start3A_862 = arith.constant 0 : i32
    %dma_start3A_863 = tpu.memref_slice %arg5[%dma_start3A_854, %dma_start3A_862] : memref<16x16xi32, #tpu.memory_space<vmem>> -> memref<1x16xi32, #tpu.memory_space<vmem>>
    %dma_start3A_864 = tpu.memref_squeeze %dma_start3A_863 : memref<1x16xi32, #tpu.memory_space<vmem>> -> memref<16xi32, #tpu.memory_space<vmem>>
    %dma_start3A_865 = arith.constant 0 : i32
    %dma_start3A_866 = arith.constant 0 : i32
    %dma_start3A_867 = arith.constant 0 : i32
    %dma_start3A_868 = tpu.memref_slice %arg2[%dma_start3A_865, %dma_start3A_866, %dma_start3A_867] : memref<8192x16x128xf32, #tpu.memory_space<hbm>> -> memref<8192x16x128xf32, #tpu.memory_space<hbm>>
    %dma_start3A_869 = tpu.memref_slice %arg7[%dma_start3A_856] : memref<2x!tpu.dma_semaphore, #tpu.memory_space<semaphore_mem>> -> memref<1x!tpu.dma_semaphore, #tpu.memory_space<semaphore_mem>>
    %dma_start3A_870 = tpu.memref_squeeze %dma_start3A_869 : memref<1x!tpu.dma_semaphore, #tpu.memory_space<semaphore_mem>> -> memref<!tpu.dma_semaphore, #tpu.memory_space<semaphore_mem>>
    tpu.enqueue_indirect_dma source(%dma_start3A_868 : memref<8192x16x128xf32, #tpu.memory_space<hbm>>) target(%dma_start3A_861 : memref<16x16x128xf32, #tpu.memory_space<vmem>>) offsets(%dma_start3A_864 : memref<16xi32, #tpu.memory_space<vmem>>) semaphore(%dma_start3A_870 : memref<!tpu.dma_semaphore, #tpu.memory_space<semaphore_mem>>)
    %dma_wait3A_871 = arith.constant 11 : i32
    %dma_wait3A_872 = arith.constant 1 : i32
    %dma_wait3A_873 = arith.constant 1 : i32
    %dma_wait3A_874 = arith.constant 0 : i32
    %dma_wait3A_875 = arith.constant 0 : i32
    %dma_wait3A_876 = arith.constant 0 : i32
    %dma_wait3A_877 = tpu.memref_slice %arg6[%dma_wait3A_872, %dma_wait3A_874, %dma_wait3A_875, %dma_wait3A_876] : memref<2x16x16x128xf32, #tpu.memory_space<vmem>> -> memref<1x16x16x128xf32, #tpu.memory_space<vmem>>
    %dma_wait3A_878 = tpu.memref_squeeze %dma_wait3A_877 : memref<1x16x16x128xf32, #tpu.memory_space<vmem>> -> memref<16x16x128xf32, #tpu.memory_space<vmem>>
    %dma_wait3A_879 = arith.constant 0 : i32
    %dma_wait3A_880 = tpu.memref_slice %arg5[%dma_wait3A_871, %dma_wait3A_879] : memref<16x16xi32, #tpu.memory_space<vmem>> -> memref<1x16xi32, #tpu.memory_space<vmem>>
    %dma_wait3A_881 = tpu.memref_squeeze %dma_wait3A_880 : memref<1x16xi32, #tpu.memory_space<vmem>> -> memref<16xi32, #tpu.memory_space<vmem>>
    %dma_wait3A_882 = arith.constant 0 : i32
    %dma_wait3A_883 = arith.constant 0 : i32
    %dma_wait3A_884 = arith.constant 0 : i32
    %dma_wait3A_885 = tpu.memref_slice %arg2[%dma_wait3A_882, %dma_wait3A_883, %dma_wait3A_884] : memref<8192x16x128xf32, #tpu.memory_space<hbm>> -> memref<8192x16x128xf32, #tpu.memory_space<hbm>>
    %dma_wait3A_886 = tpu.memref_slice %arg7[%dma_wait3A_873] : memref<2x!tpu.dma_semaphore, #tpu.memory_space<semaphore_mem>> -> memref<1x!tpu.dma_semaphore, #tpu.memory_space<semaphore_mem>>
    %dma_wait3A_887 = tpu.memref_squeeze %dma_wait3A_886 : memref<1x!tpu.dma_semaphore, #tpu.memory_space<semaphore_mem>> -> memref<!tpu.dma_semaphore, #tpu.memory_space<semaphore_mem>>
    tpu.wait_indirect_dma semaphore(%dma_wait3A_887 : memref<!tpu.dma_semaphore, #tpu.memory_space<semaphore_mem>>) src(%dma_wait3A_885 : memref<8192x16x128xf32, #tpu.memory_space<hbm>>) dst(%dma_wait3A_878 : memref<16x16x128xf32, #tpu.memory_space<vmem>>)
    %add3A_888 = arith.constant 176 : i32
    %add3A_889 = arith.addi %mul3A_2, %add3A_888 : i32
    %dma_start3A_890 = arith.constant 1 : i32
    %dma_start3A_891 = arith.constant 1 : i32
    %dma_start3A_892 = arith.constant 0 : i32
    %dma_start3A_893 = arith.constant 0 : i32
    %dma_start3A_894 = arith.constant 0 : i32
    %dma_start3A_895 = tpu.memref_slice %arg6[%dma_start3A_890, %dma_start3A_892, %dma_start3A_893, %dma_start3A_894] : memref<2x16x16x128xf32, #tpu.memory_space<vmem>> -> memref<1x16x16x128xf32, #tpu.memory_space<vmem>>
    %dma_start3A_896 = tpu.memref_squeeze %dma_start3A_895 : memref<1x16x16x128xf32, #tpu.memory_space<vmem>> -> memref<16x16x128xf32, #tpu.memory_space<vmem>>
    %dma_start3A_897 = arith.constant 0 : i32
    %dma_start3A_898 = arith.constant 0 : i32
    %dma_start3A_899 = tpu.memref_slice %arg4[%add3A_889, %dma_start3A_897, %dma_start3A_898] : memref<8192x16x128xf32, #tpu.memory_space<hbm>> -> memref<16x16x128xf32, #tpu.memory_space<hbm>>
    %dma_start3A_900 = tpu.memref_slice %arg8[%dma_start3A_891] : memref<2x!tpu.dma_semaphore, #tpu.memory_space<semaphore_mem>> -> memref<1x!tpu.dma_semaphore, #tpu.memory_space<semaphore_mem>>
    %dma_start3A_901 = tpu.memref_squeeze %dma_start3A_900 : memref<1x!tpu.dma_semaphore, #tpu.memory_space<semaphore_mem>> -> memref<!tpu.dma_semaphore, #tpu.memory_space<semaphore_mem>>
    %dma_start3A_902 = arith.constant 0 : i32
    %dma_start3A_903 = arith.constant 0 : i32
    %dma_start3A_904 = tpu.memref_slice %arg4[%add3A_889, %dma_start3A_902, %dma_start3A_903] : memref<8192x16x128xf32, #tpu.memory_space<hbm>> -> memref<16x16x128xf32, #tpu.memory_space<hbm>>
    %dma_start3A_905 = arith.constant 0 : i32
    %dma_start3A_906 = arith.constant 0 : i32
    %dma_start3A_907 = arith.constant 0 : i32
    %dma_start3A_908 = tpu.memref_slice %arg6[%dma_start3A_890, %dma_start3A_905, %dma_start3A_906, %dma_start3A_907] : memref<2x16x16x128xf32, #tpu.memory_space<vmem>> -> memref<1x16x16x128xf32, #tpu.memory_space<vmem>>
    %dma_start3A_909 = tpu.memref_squeeze %dma_start3A_908 : memref<1x16x16x128xf32, #tpu.memory_space<vmem>> -> memref<16x16x128xf32, #tpu.memory_space<vmem>>
    tpu.enqueue_dma source(%dma_start3A_909 : memref<16x16x128xf32, #tpu.memory_space<vmem>>) target(%dma_start3A_904 : memref<16x16x128xf32, #tpu.memory_space<hbm>>) target_semaphore(%dma_start3A_901 : memref<!tpu.dma_semaphore, #tpu.memory_space<semaphore_mem>>)
    %dma_wait3A_910 = arith.constant 1 : i32
    %dma_wait3A_911 = arith.constant 1 : i32
    %dma_wait3A_912 = arith.constant 0 : i32
    %dma_wait3A_913 = arith.constant 0 : i32
    %dma_wait3A_914 = arith.constant 0 : i32
    %dma_wait3A_915 = tpu.memref_slice %arg6[%dma_wait3A_910, %dma_wait3A_912, %dma_wait3A_913, %dma_wait3A_914] : memref<2x16x16x128xf32, #tpu.memory_space<vmem>> -> memref<1x16x16x128xf32, #tpu.memory_space<vmem>>
    %dma_wait3A_916 = tpu.memref_squeeze %dma_wait3A_915 : memref<1x16x16x128xf32, #tpu.memory_space<vmem>> -> memref<16x16x128xf32, #tpu.memory_space<vmem>>
    %dma_wait3A_917 = arith.constant 0 : i32
    %dma_wait3A_918 = arith.constant 0 : i32
    %dma_wait3A_919 = tpu.memref_slice %arg4[%add3A_889, %dma_wait3A_917, %dma_wait3A_918] : memref<8192x16x128xf32, #tpu.memory_space<hbm>> -> memref<16x16x128xf32, #tpu.memory_space<hbm>>
    %dma_wait3A_920 = tpu.memref_slice %arg8[%dma_wait3A_911] : memref<2x!tpu.dma_semaphore, #tpu.memory_space<semaphore_mem>> -> memref<1x!tpu.dma_semaphore, #tpu.memory_space<semaphore_mem>>
    %dma_wait3A_921 = tpu.memref_squeeze %dma_wait3A_920 : memref<1x!tpu.dma_semaphore, #tpu.memory_space<semaphore_mem>> -> memref<!tpu.dma_semaphore, #tpu.memory_space<semaphore_mem>>
    %dma_wait3A_922 = arith.constant 0 : i32
    %dma_wait3A_923 = arith.constant 0 : i32
    %dma_wait3A_924 = tpu.memref_slice %arg4[%add3A_889, %dma_wait3A_922, %dma_wait3A_923] : memref<8192x16x128xf32, #tpu.memory_space<hbm>> -> memref<16x16x128xf32, #tpu.memory_space<hbm>>
    %dma_wait3A_925 = arith.constant 0 : i32
    %dma_wait3A_926 = arith.constant 0 : i32
    %dma_wait3A_927 = arith.constant 0 : i32
    %dma_wait3A_928 = tpu.memref_slice %arg6[%dma_wait3A_910, %dma_wait3A_925, %dma_wait3A_926, %dma_wait3A_927] : memref<2x16x16x128xf32, #tpu.memory_space<vmem>> -> memref<1x16x16x128xf32, #tpu.memory_space<vmem>>
    %dma_wait3A_929 = tpu.memref_squeeze %dma_wait3A_928 : memref<1x16x16x128xf32, #tpu.memory_space<vmem>> -> memref<16x16x128xf32, #tpu.memory_space<vmem>>
    tpu.wait_dma2 semaphore(%dma_wait3A_921 : memref<!tpu.dma_semaphore, #tpu.memory_space<semaphore_mem>>) src(%dma_wait3A_929 : memref<16x16x128xf32, #tpu.memory_space<vmem>>) dst(%dma_wait3A_924 : memref<16x16x128xf32, #tpu.memory_space<hbm>>)
    %dma_start3A_930 = arith.constant 13 : i32
    %dma_start3A_931 = arith.constant 1 : i32
    %dma_start3A_932 = arith.constant 1 : i32
    %dma_start3A_933 = arith.constant 0 : i32
    %dma_start3A_934 = arith.constant 0 : i32
    %dma_start3A_935 = arith.constant 0 : i32
    %dma_start3A_936 = tpu.memref_slice %arg6[%dma_start3A_931, %dma_start3A_933, %dma_start3A_934, %dma_start3A_935] : memref<2x16x16x128xf32, #tpu.memory_space<vmem>> -> memref<1x16x16x128xf32, #tpu.memory_space<vmem>>
    %dma_start3A_937 = tpu.memref_squeeze %dma_start3A_936 : memref<1x16x16x128xf32, #tpu.memory_space<vmem>> -> memref<16x16x128xf32, #tpu.memory_space<vmem>>
    %dma_start3A_938 = arith.constant 0 : i32
    %dma_start3A_939 = tpu.memref_slice %arg5[%dma_start3A_930, %dma_start3A_938] : memref<16x16xi32, #tpu.memory_space<vmem>> -> memref<1x16xi32, #tpu.memory_space<vmem>>
    %dma_start3A_940 = tpu.memref_squeeze %dma_start3A_939 : memref<1x16xi32, #tpu.memory_space<vmem>> -> memref<16xi32, #tpu.memory_space<vmem>>
    %dma_start3A_941 = arith.constant 0 : i32
    %dma_start3A_942 = arith.constant 0 : i32
    %dma_start3A_943 = arith.constant 0 : i32
    %dma_start3A_944 = tpu.memref_slice %arg2[%dma_start3A_941, %dma_start3A_942, %dma_start3A_943] : memref<8192x16x128xf32, #tpu.memory_space<hbm>> -> memref<8192x16x128xf32, #tpu.memory_space<hbm>>
    %dma_start3A_945 = tpu.memref_slice %arg7[%dma_start3A_932] : memref<2x!tpu.dma_semaphore, #tpu.memory_space<semaphore_mem>> -> memref<1x!tpu.dma_semaphore, #tpu.memory_space<semaphore_mem>>
    %dma_start3A_946 = tpu.memref_squeeze %dma_start3A_945 : memref<1x!tpu.dma_semaphore, #tpu.memory_space<semaphore_mem>> -> memref<!tpu.dma_semaphore, #tpu.memory_space<semaphore_mem>>
    tpu.enqueue_indirect_dma source(%dma_start3A_944 : memref<8192x16x128xf32, #tpu.memory_space<hbm>>) target(%dma_start3A_937 : memref<16x16x128xf32, #tpu.memory_space<vmem>>) offsets(%dma_start3A_940 : memref<16xi32, #tpu.memory_space<vmem>>) semaphore(%dma_start3A_946 : memref<!tpu.dma_semaphore, #tpu.memory_space<semaphore_mem>>)
    %dma_wait3A_947 = arith.constant 12 : i32
    %dma_wait3A_948 = arith.constant 0 : i32
    %dma_wait3A_949 = arith.constant 0 : i32
    %dma_wait3A_950 = arith.constant 0 : i32
    %dma_wait3A_951 = arith.constant 0 : i32
    %dma_wait3A_952 = arith.constant 0 : i32
    %dma_wait3A_953 = tpu.memref_slice %arg6[%dma_wait3A_948, %dma_wait3A_950, %dma_wait3A_951, %dma_wait3A_952] : memref<2x16x16x128xf32, #tpu.memory_space<vmem>> -> memref<1x16x16x128xf32, #tpu.memory_space<vmem>>
    %dma_wait3A_954 = tpu.memref_squeeze %dma_wait3A_953 : memref<1x16x16x128xf32, #tpu.memory_space<vmem>> -> memref<16x16x128xf32, #tpu.memory_space<vmem>>
    %dma_wait3A_955 = arith.constant 0 : i32
    %dma_wait3A_956 = tpu.memref_slice %arg5[%dma_wait3A_947, %dma_wait3A_955] : memref<16x16xi32, #tpu.memory_space<vmem>> -> memref<1x16xi32, #tpu.memory_space<vmem>>
    %dma_wait3A_957 = tpu.memref_squeeze %dma_wait3A_956 : memref<1x16xi32, #tpu.memory_space<vmem>> -> memref<16xi32, #tpu.memory_space<vmem>>
    %dma_wait3A_958 = arith.constant 0 : i32
    %dma_wait3A_959 = arith.constant 0 : i32
    %dma_wait3A_960 = arith.constant 0 : i32
    %dma_wait3A_961 = tpu.memref_slice %arg2[%dma_wait3A_958, %dma_wait3A_959, %dma_wait3A_960] : memref<8192x16x128xf32, #tpu.memory_space<hbm>> -> memref<8192x16x128xf32, #tpu.memory_space<hbm>>
    %dma_wait3A_962 = tpu.memref_slice %arg7[%dma_wait3A_949] : memref<2x!tpu.dma_semaphore, #tpu.memory_space<semaphore_mem>> -> memref<1x!tpu.dma_semaphore, #tpu.memory_space<semaphore_mem>>
    %dma_wait3A_963 = tpu.memref_squeeze %dma_wait3A_962 : memref<1x!tpu.dma_semaphore, #tpu.memory_space<semaphore_mem>> -> memref<!tpu.dma_semaphore, #tpu.memory_space<semaphore_mem>>
    tpu.wait_indirect_dma semaphore(%dma_wait3A_963 : memref<!tpu.dma_semaphore, #tpu.memory_space<semaphore_mem>>) src(%dma_wait3A_961 : memref<8192x16x128xf32, #tpu.memory_space<hbm>>) dst(%dma_wait3A_954 : memref<16x16x128xf32, #tpu.memory_space<vmem>>)
    %add3A_964 = arith.constant 192 : i32
    %add3A_965 = arith.addi %mul3A_2, %add3A_964 : i32
    %dma_start3A_966 = arith.constant 0 : i32
    %dma_start3A_967 = arith.constant 0 : i32
    %dma_start3A_968 = arith.constant 0 : i32
    %dma_start3A_969 = arith.constant 0 : i32
    %dma_start3A_970 = arith.constant 0 : i32
    %dma_start3A_971 = tpu.memref_slice %arg6[%dma_start3A_966, %dma_start3A_968, %dma_start3A_969, %dma_start3A_970] : memref<2x16x16x128xf32, #tpu.memory_space<vmem>> -> memref<1x16x16x128xf32, #tpu.memory_space<vmem>>
    %dma_start3A_972 = tpu.memref_squeeze %dma_start3A_971 : memref<1x16x16x128xf32, #tpu.memory_space<vmem>> -> memref<16x16x128xf32, #tpu.memory_space<vmem>>
    %dma_start3A_973 = arith.constant 0 : i32
    %dma_start3A_974 = arith.constant 0 : i32
    %dma_start3A_975 = tpu.memref_slice %arg4[%add3A_965, %dma_start3A_973, %dma_start3A_974] : memref<8192x16x128xf32, #tpu.memory_space<hbm>> -> memref<16x16x128xf32, #tpu.memory_space<hbm>>
    %dma_start3A_976 = tpu.memref_slice %arg8[%dma_start3A_967] : memref<2x!tpu.dma_semaphore, #tpu.memory_space<semaphore_mem>> -> memref<1x!tpu.dma_semaphore, #tpu.memory_space<semaphore_mem>>
    %dma_start3A_977 = tpu.memref_squeeze %dma_start3A_976 : memref<1x!tpu.dma_semaphore, #tpu.memory_space<semaphore_mem>> -> memref<!tpu.dma_semaphore, #tpu.memory_space<semaphore_mem>>
    %dma_start3A_978 = arith.constant 0 : i32
    %dma_start3A_979 = arith.constant 0 : i32
    %dma_start3A_980 = tpu.memref_slice %arg4[%add3A_965, %dma_start3A_978, %dma_start3A_979] : memref<8192x16x128xf32, #tpu.memory_space<hbm>> -> memref<16x16x128xf32, #tpu.memory_space<hbm>>
    %dma_start3A_981 = arith.constant 0 : i32
    %dma_start3A_982 = arith.constant 0 : i32
    %dma_start3A_983 = arith.constant 0 : i32
    %dma_start3A_984 = tpu.memref_slice %arg6[%dma_start3A_966, %dma_start3A_981, %dma_start3A_982, %dma_start3A_983] : memref<2x16x16x128xf32, #tpu.memory_space<vmem>> -> memref<1x16x16x128xf32, #tpu.memory_space<vmem>>
    %dma_start3A_985 = tpu.memref_squeeze %dma_start3A_984 : memref<1x16x16x128xf32, #tpu.memory_space<vmem>> -> memref<16x16x128xf32, #tpu.memory_space<vmem>>
    tpu.enqueue_dma source(%dma_start3A_985 : memref<16x16x128xf32, #tpu.memory_space<vmem>>) target(%dma_start3A_980 : memref<16x16x128xf32, #tpu.memory_space<hbm>>) target_semaphore(%dma_start3A_977 : memref<!tpu.dma_semaphore, #tpu.memory_space<semaphore_mem>>)
    %dma_wait3A_986 = arith.constant 0 : i32
    %dma_wait3A_987 = arith.constant 0 : i32
    %dma_wait3A_988 = arith.constant 0 : i32
    %dma_wait3A_989 = arith.constant 0 : i32
    %dma_wait3A_990 = arith.constant 0 : i32
    %dma_wait3A_991 = tpu.memref_slice %arg6[%dma_wait3A_986, %dma_wait3A_988, %dma_wait3A_989, %dma_wait3A_990] : memref<2x16x16x128xf32, #tpu.memory_space<vmem>> -> memref<1x16x16x128xf32, #tpu.memory_space<vmem>>
    %dma_wait3A_992 = tpu.memref_squeeze %dma_wait3A_991 : memref<1x16x16x128xf32, #tpu.memory_space<vmem>> -> memref<16x16x128xf32, #tpu.memory_space<vmem>>
    %dma_wait3A_993 = arith.constant 0 : i32
    %dma_wait3A_994 = arith.constant 0 : i32
    %dma_wait3A_995 = tpu.memref_slice %arg4[%add3A_965, %dma_wait3A_993, %dma_wait3A_994] : memref<8192x16x128xf32, #tpu.memory_space<hbm>> -> memref<16x16x128xf32, #tpu.memory_space<hbm>>
    %dma_wait3A_996 = tpu.memref_slice %arg8[%dma_wait3A_987] : memref<2x!tpu.dma_semaphore, #tpu.memory_space<semaphore_mem>> -> memref<1x!tpu.dma_semaphore, #tpu.memory_space<semaphore_mem>>
    %dma_wait3A_997 = tpu.memref_squeeze %dma_wait3A_996 : memref<1x!tpu.dma_semaphore, #tpu.memory_space<semaphore_mem>> -> memref<!tpu.dma_semaphore, #tpu.memory_space<semaphore_mem>>
    %dma_wait3A_998 = arith.constant 0 : i32
    %dma_wait3A_999 = arith.constant 0 : i32
    %dma_wait3A_1000 = tpu.memref_slice %arg4[%add3A_965, %dma_wait3A_998, %dma_wait3A_999] : memref<8192x16x128xf32, #tpu.memory_space<hbm>> -> memref<16x16x128xf32, #tpu.memory_space<hbm>>
    %dma_wait3A_1001 = arith.constant 0 : i32
    %dma_wait3A_1002 = arith.constant 0 : i32
    %dma_wait3A_1003 = arith.constant 0 : i32
    %dma_wait3A_1004 = tpu.memref_slice %arg6[%dma_wait3A_986, %dma_wait3A_1001, %dma_wait3A_1002, %dma_wait3A_1003] : memref<2x16x16x128xf32, #tpu.memory_space<vmem>> -> memref<1x16x16x128xf32, #tpu.memory_space<vmem>>
    %dma_wait3A_1005 = tpu.memref_squeeze %dma_wait3A_1004 : memref<1x16x16x128xf32, #tpu.memory_space<vmem>> -> memref<16x16x128xf32, #tpu.memory_space<vmem>>
    tpu.wait_dma2 semaphore(%dma_wait3A_997 : memref<!tpu.dma_semaphore, #tpu.memory_space<semaphore_mem>>) src(%dma_wait3A_1005 : memref<16x16x128xf32, #tpu.memory_space<vmem>>) dst(%dma_wait3A_1000 : memref<16x16x128xf32, #tpu.memory_space<hbm>>)
    %dma_start3A_1006 = arith.constant 14 : i32
    %dma_start3A_1007 = arith.constant 0 : i32
    %dma_start3A_1008 = arith.constant 0 : i32
    %dma_start3A_1009 = arith.constant 0 : i32
    %dma_start3A_1010 = arith.constant 0 : i32
    %dma_start3A_1011 = arith.constant 0 : i32
    %dma_start3A_1012 = tpu.memref_slice %arg6[%dma_start3A_1007, %dma_start3A_1009, %dma_start3A_1010, %dma_start3A_1011] : memref<2x16x16x128xf32, #tpu.memory_space<vmem>> -> memref<1x16x16x128xf32, #tpu.memory_space<vmem>>
    %dma_start3A_1013 = tpu.memref_squeeze %dma_start3A_1012 : memref<1x16x16x128xf32, #tpu.memory_space<vmem>> -> memref<16x16x128xf32, #tpu.memory_space<vmem>>
    %dma_start3A_1014 = arith.constant 0 : i32
    %dma_start3A_1015 = tpu.memref_slice %arg5[%dma_start3A_1006, %dma_start3A_1014] : memref<16x16xi32, #tpu.memory_space<vmem>> -> memref<1x16xi32, #tpu.memory_space<vmem>>
    %dma_start3A_1016 = tpu.memref_squeeze %dma_start3A_1015 : memref<1x16xi32, #tpu.memory_space<vmem>> -> memref<16xi32, #tpu.memory_space<vmem>>
    %dma_start3A_1017 = arith.constant 0 : i32
    %dma_start3A_1018 = arith.constant 0 : i32
    %dma_start3A_1019 = arith.constant 0 : i32
    %dma_start3A_1020 = tpu.memref_slice %arg2[%dma_start3A_1017, %dma_start3A_1018, %dma_start3A_1019] : memref<8192x16x128xf32, #tpu.memory_space<hbm>> -> memref<8192x16x128xf32, #tpu.memory_space<hbm>>
    %dma_start3A_1021 = tpu.memref_slice %arg7[%dma_start3A_1008] : memref<2x!tpu.dma_semaphore, #tpu.memory_space<semaphore_mem>> -> memref<1x!tpu.dma_semaphore, #tpu.memory_space<semaphore_mem>>
    %dma_start3A_1022 = tpu.memref_squeeze %dma_start3A_1021 : memref<1x!tpu.dma_semaphore, #tpu.memory_space<semaphore_mem>> -> memref<!tpu.dma_semaphore, #tpu.memory_space<semaphore_mem>>
    tpu.enqueue_indirect_dma source(%dma_start3A_1020 : memref<8192x16x128xf32, #tpu.memory_space<hbm>>) target(%dma_start3A_1013 : memref<16x16x128xf32, #tpu.memory_space<vmem>>) offsets(%dma_start3A_1016 : memref<16xi32, #tpu.memory_space<vmem>>) semaphore(%dma_start3A_1022 : memref<!tpu.dma_semaphore, #tpu.memory_space<semaphore_mem>>)
    %dma_wait3A_1023 = arith.constant 13 : i32
    %dma_wait3A_1024 = arith.constant 1 : i32
    %dma_wait3A_1025 = arith.constant 1 : i32
    %dma_wait3A_1026 = arith.constant 0 : i32
    %dma_wait3A_1027 = arith.constant 0 : i32
    %dma_wait3A_1028 = arith.constant 0 : i32
    %dma_wait3A_1029 = tpu.memref_slice %arg6[%dma_wait3A_1024, %dma_wait3A_1026, %dma_wait3A_1027, %dma_wait3A_1028] : memref<2x16x16x128xf32, #tpu.memory_space<vmem>> -> memref<1x16x16x128xf32, #tpu.memory_space<vmem>>
    %dma_wait3A_1030 = tpu.memref_squeeze %dma_wait3A_1029 : memref<1x16x16x128xf32, #tpu.memory_space<vmem>> -> memref<16x16x128xf32, #tpu.memory_space<vmem>>
    %dma_wait3A_1031 = arith.constant 0 : i32
    %dma_wait3A_1032 = tpu.memref_slice %arg5[%dma_wait3A_1023, %dma_wait3A_1031] : memref<16x16xi32, #tpu.memory_space<vmem>> -> memref<1x16xi32, #tpu.memory_space<vmem>>
    %dma_wait3A_1033 = tpu.memref_squeeze %dma_wait3A_1032 : memref<1x16xi32, #tpu.memory_space<vmem>> -> memref<16xi32, #tpu.memory_space<vmem>>
    %dma_wait3A_1034 = arith.constant 0 : i32
    %dma_wait3A_1035 = arith.constant 0 : i32
    %dma_wait3A_1036 = arith.constant 0 : i32
    %dma_wait3A_1037 = tpu.memref_slice %arg2[%dma_wait3A_1034, %dma_wait3A_1035, %dma_wait3A_1036] : memref<8192x16x128xf32, #tpu.memory_space<hbm>> -> memref<8192x16x128xf32, #tpu.memory_space<hbm>>
    %dma_wait3A_1038 = tpu.memref_slice %arg7[%dma_wait3A_1025] : memref<2x!tpu.dma_semaphore, #tpu.memory_space<semaphore_mem>> -> memref<1x!tpu.dma_semaphore, #tpu.memory_space<semaphore_mem>>
    %dma_wait3A_1039 = tpu.memref_squeeze %dma_wait3A_1038 : memref<1x!tpu.dma_semaphore, #tpu.memory_space<semaphore_mem>> -> memref<!tpu.dma_semaphore, #tpu.memory_space<semaphore_mem>>
    tpu.wait_indirect_dma semaphore(%dma_wait3A_1039 : memref<!tpu.dma_semaphore, #tpu.memory_space<semaphore_mem>>) src(%dma_wait3A_1037 : memref<8192x16x128xf32, #tpu.memory_space<hbm>>) dst(%dma_wait3A_1030 : memref<16x16x128xf32, #tpu.memory_space<vmem>>)
    %add3A_1040 = arith.constant 208 : i32
    %add3A_1041 = arith.addi %mul3A_2, %add3A_1040 : i32
    %dma_start3A_1042 = arith.constant 1 : i32
    %dma_start3A_1043 = arith.constant 1 : i32
    %dma_start3A_1044 = arith.constant 0 : i32
    %dma_start3A_1045 = arith.constant 0 : i32
    %dma_start3A_1046 = arith.constant 0 : i32
    %dma_start3A_1047 = tpu.memref_slice %arg6[%dma_start3A_1042, %dma_start3A_1044, %dma_start3A_1045, %dma_start3A_1046] : memref<2x16x16x128xf32, #tpu.memory_space<vmem>> -> memref<1x16x16x128xf32, #tpu.memory_space<vmem>>
    %dma_start3A_1048 = tpu.memref_squeeze %dma_start3A_1047 : memref<1x16x16x128xf32, #tpu.memory_space<vmem>> -> memref<16x16x128xf32, #tpu.memory_space<vmem>>
    %dma_start3A_1049 = arith.constant 0 : i32
    %dma_start3A_1050 = arith.constant 0 : i32
    %dma_start3A_1051 = tpu.memref_slice %arg4[%add3A_1041, %dma_start3A_1049, %dma_start3A_1050] : memref<8192x16x128xf32, #tpu.memory_space<hbm>> -> memref<16x16x128xf32, #tpu.memory_space<hbm>>
    %dma_start3A_1052 = tpu.memref_slice %arg8[%dma_start3A_1043] : memref<2x!tpu.dma_semaphore, #tpu.memory_space<semaphore_mem>> -> memref<1x!tpu.dma_semaphore, #tpu.memory_space<semaphore_mem>>
    %dma_start3A_1053 = tpu.memref_squeeze %dma_start3A_1052 : memref<1x!tpu.dma_semaphore, #tpu.memory_space<semaphore_mem>> -> memref<!tpu.dma_semaphore, #tpu.memory_space<semaphore_mem>>
    %dma_start3A_1054 = arith.constant 0 : i32
    %dma_start3A_1055 = arith.constant 0 : i32
    %dma_start3A_1056 = tpu.memref_slice %arg4[%add3A_1041, %dma_start3A_1054, %dma_start3A_1055] : memref<8192x16x128xf32, #tpu.memory_space<hbm>> -> memref<16x16x128xf32, #tpu.memory_space<hbm>>
    %dma_start3A_1057 = arith.constant 0 : i32
    %dma_start3A_1058 = arith.constant 0 : i32
    %dma_start3A_1059 = arith.constant 0 : i32
    %dma_start3A_1060 = tpu.memref_slice %arg6[%dma_start3A_1042, %dma_start3A_1057, %dma_start3A_1058, %dma_start3A_1059] : memref<2x16x16x128xf32, #tpu.memory_space<vmem>> -> memref<1x16x16x128xf32, #tpu.memory_space<vmem>>
    %dma_start3A_1061 = tpu.memref_squeeze %dma_start3A_1060 : memref<1x16x16x128xf32, #tpu.memory_space<vmem>> -> memref<16x16x128xf32, #tpu.memory_space<vmem>>
    tpu.enqueue_dma source(%dma_start3A_1061 : memref<16x16x128xf32, #tpu.memory_space<vmem>>) target(%dma_start3A_1056 : memref<16x16x128xf32, #tpu.memory_space<hbm>>) target_semaphore(%dma_start3A_1053 : memref<!tpu.dma_semaphore, #tpu.memory_space<semaphore_mem>>)
    %dma_wait3A_1062 = arith.constant 1 : i32
    %dma_wait3A_1063 = arith.constant 1 : i32
    %dma_wait3A_1064 = arith.constant 0 : i32
    %dma_wait3A_1065 = arith.constant 0 : i32
    %dma_wait3A_1066 = arith.constant 0 : i32
    %dma_wait3A_1067 = tpu.memref_slice %arg6[%dma_wait3A_1062, %dma_wait3A_1064, %dma_wait3A_1065, %dma_wait3A_1066] : memref<2x16x16x128xf32, #tpu.memory_space<vmem>> -> memref<1x16x16x128xf32, #tpu.memory_space<vmem>>
    %dma_wait3A_1068 = tpu.memref_squeeze %dma_wait3A_1067 : memref<1x16x16x128xf32, #tpu.memory_space<vmem>> -> memref<16x16x128xf32, #tpu.memory_space<vmem>>
    %dma_wait3A_1069 = arith.constant 0 : i32
    %dma_wait3A_1070 = arith.constant 0 : i32
    %dma_wait3A_1071 = tpu.memref_slice %arg4[%add3A_1041, %dma_wait3A_1069, %dma_wait3A_1070] : memref<8192x16x128xf32, #tpu.memory_space<hbm>> -> memref<16x16x128xf32, #tpu.memory_space<hbm>>
    %dma_wait3A_1072 = tpu.memref_slice %arg8[%dma_wait3A_1063] : memref<2x!tpu.dma_semaphore, #tpu.memory_space<semaphore_mem>> -> memref<1x!tpu.dma_semaphore, #tpu.memory_space<semaphore_mem>>
    %dma_wait3A_1073 = tpu.memref_squeeze %dma_wait3A_1072 : memref<1x!tpu.dma_semaphore, #tpu.memory_space<semaphore_mem>> -> memref<!tpu.dma_semaphore, #tpu.memory_space<semaphore_mem>>
    %dma_wait3A_1074 = arith.constant 0 : i32
    %dma_wait3A_1075 = arith.constant 0 : i32
    %dma_wait3A_1076 = tpu.memref_slice %arg4[%add3A_1041, %dma_wait3A_1074, %dma_wait3A_1075] : memref<8192x16x128xf32, #tpu.memory_space<hbm>> -> memref<16x16x128xf32, #tpu.memory_space<hbm>>
    %dma_wait3A_1077 = arith.constant 0 : i32
    %dma_wait3A_1078 = arith.constant 0 : i32
    %dma_wait3A_1079 = arith.constant 0 : i32
    %dma_wait3A_1080 = tpu.memref_slice %arg6[%dma_wait3A_1062, %dma_wait3A_1077, %dma_wait3A_1078, %dma_wait3A_1079] : memref<2x16x16x128xf32, #tpu.memory_space<vmem>> -> memref<1x16x16x128xf32, #tpu.memory_space<vmem>>
    %dma_wait3A_1081 = tpu.memref_squeeze %dma_wait3A_1080 : memref<1x16x16x128xf32, #tpu.memory_space<vmem>> -> memref<16x16x128xf32, #tpu.memory_space<vmem>>
    tpu.wait_dma2 semaphore(%dma_wait3A_1073 : memref<!tpu.dma_semaphore, #tpu.memory_space<semaphore_mem>>) src(%dma_wait3A_1081 : memref<16x16x128xf32, #tpu.memory_space<vmem>>) dst(%dma_wait3A_1076 : memref<16x16x128xf32, #tpu.memory_space<hbm>>)
    %dma_start3A_1082 = arith.constant 15 : i32
    %dma_start3A_1083 = arith.constant 1 : i32
    %dma_start3A_1084 = arith.constant 1 : i32
    %dma_start3A_1085 = arith.constant 0 : i32
    %dma_start3A_1086 = arith.constant 0 : i32
    %dma_start3A_1087 = arith.constant 0 : i32
    %dma_start3A_1088 = tpu.memref_slice %arg6[%dma_start3A_1083, %dma_start3A_1085, %dma_start3A_1086, %dma_start3A_1087] : memref<2x16x16x128xf32, #tpu.memory_space<vmem>> -> memref<1x16x16x128xf32, #tpu.memory_space<vmem>>
    %dma_start3A_1089 = tpu.memref_squeeze %dma_start3A_1088 : memref<1x16x16x128xf32, #tpu.memory_space<vmem>> -> memref<16x16x128xf32, #tpu.memory_space<vmem>>
    %dma_start3A_1090 = arith.constant 0 : i32
    %dma_start3A_1091 = tpu.memref_slice %arg5[%dma_start3A_1082, %dma_start3A_1090] : memref<16x16xi32, #tpu.memory_space<vmem>> -> memref<1x16xi32, #tpu.memory_space<vmem>>
    %dma_start3A_1092 = tpu.memref_squeeze %dma_start3A_1091 : memref<1x16xi32, #tpu.memory_space<vmem>> -> memref<16xi32, #tpu.memory_space<vmem>>
    %dma_start3A_1093 = arith.constant 0 : i32
    %dma_start3A_1094 = arith.constant 0 : i32
    %dma_start3A_1095 = arith.constant 0 : i32
    %dma_start3A_1096 = tpu.memref_slice %arg2[%dma_start3A_1093, %dma_start3A_1094, %dma_start3A_1095] : memref<8192x16x128xf32, #tpu.memory_space<hbm>> -> memref<8192x16x128xf32, #tpu.memory_space<hbm>>
    %dma_start3A_1097 = tpu.memref_slice %arg7[%dma_start3A_1084] : memref<2x!tpu.dma_semaphore, #tpu.memory_space<semaphore_mem>> -> memref<1x!tpu.dma_semaphore, #tpu.memory_space<semaphore_mem>>
    %dma_start3A_1098 = tpu.memref_squeeze %dma_start3A_1097 : memref<1x!tpu.dma_semaphore, #tpu.memory_space<semaphore_mem>> -> memref<!tpu.dma_semaphore, #tpu.memory_space<semaphore_mem>>
    tpu.enqueue_indirect_dma source(%dma_start3A_1096 : memref<8192x16x128xf32, #tpu.memory_space<hbm>>) target(%dma_start3A_1089 : memref<16x16x128xf32, #tpu.memory_space<vmem>>) offsets(%dma_start3A_1092 : memref<16xi32, #tpu.memory_space<vmem>>) semaphore(%dma_start3A_1098 : memref<!tpu.dma_semaphore, #tpu.memory_space<semaphore_mem>>)
    %dma_wait3A_1099 = arith.constant 14 : i32
    %dma_wait3A_1100 = arith.constant 0 : i32
    %dma_wait3A_1101 = arith.constant 0 : i32
    %dma_wait3A_1102 = arith.constant 0 : i32
    %dma_wait3A_1103 = arith.constant 0 : i32
    %dma_wait3A_1104 = arith.constant 0 : i32
    %dma_wait3A_1105 = tpu.memref_slice %arg6[%dma_wait3A_1100, %dma_wait3A_1102, %dma_wait3A_1103, %dma_wait3A_1104] : memref<2x16x16x128xf32, #tpu.memory_space<vmem>> -> memref<1x16x16x128xf32, #tpu.memory_space<vmem>>
    %dma_wait3A_1106 = tpu.memref_squeeze %dma_wait3A_1105 : memref<1x16x16x128xf32, #tpu.memory_space<vmem>> -> memref<16x16x128xf32, #tpu.memory_space<vmem>>
    %dma_wait3A_1107 = arith.constant 0 : i32
    %dma_wait3A_1108 = tpu.memref_slice %arg5[%dma_wait3A_1099, %dma_wait3A_1107] : memref<16x16xi32, #tpu.memory_space<vmem>> -> memref<1x16xi32, #tpu.memory_space<vmem>>
    %dma_wait3A_1109 = tpu.memref_squeeze %dma_wait3A_1108 : memref<1x16xi32, #tpu.memory_space<vmem>> -> memref<16xi32, #tpu.memory_space<vmem>>
    %dma_wait3A_1110 = arith.constant 0 : i32
    %dma_wait3A_1111 = arith.constant 0 : i32
    %dma_wait3A_1112 = arith.constant 0 : i32
    %dma_wait3A_1113 = tpu.memref_slice %arg2[%dma_wait3A_1110, %dma_wait3A_1111, %dma_wait3A_1112] : memref<8192x16x128xf32, #tpu.memory_space<hbm>> -> memref<8192x16x128xf32, #tpu.memory_space<hbm>>
    %dma_wait3A_1114 = tpu.memref_slice %arg7[%dma_wait3A_1101] : memref<2x!tpu.dma_semaphore, #tpu.memory_space<semaphore_mem>> -> memref<1x!tpu.dma_semaphore, #tpu.memory_space<semaphore_mem>>
    %dma_wait3A_1115 = tpu.memref_squeeze %dma_wait3A_1114 : memref<1x!tpu.dma_semaphore, #tpu.memory_space<semaphore_mem>> -> memref<!tpu.dma_semaphore, #tpu.memory_space<semaphore_mem>>
    tpu.wait_indirect_dma semaphore(%dma_wait3A_1115 : memref<!tpu.dma_semaphore, #tpu.memory_space<semaphore_mem>>) src(%dma_wait3A_1113 : memref<8192x16x128xf32, #tpu.memory_space<hbm>>) dst(%dma_wait3A_1106 : memref<16x16x128xf32, #tpu.memory_space<vmem>>)
    %add3A_1116 = arith.constant 224 : i32
    %add3A_1117 = arith.addi %mul3A_2, %add3A_1116 : i32
    %dma_start3A_1118 = arith.constant 0 : i32
    %dma_start3A_1119 = arith.constant 0 : i32
    %dma_start3A_1120 = arith.constant 0 : i32
    %dma_start3A_1121 = arith.constant 0 : i32
    %dma_start3A_1122 = arith.constant 0 : i32
    %dma_start3A_1123 = tpu.memref_slice %arg6[%dma_start3A_1118, %dma_start3A_1120, %dma_start3A_1121, %dma_start3A_1122] : memref<2x16x16x128xf32, #tpu.memory_space<vmem>> -> memref<1x16x16x128xf32, #tpu.memory_space<vmem>>
    %dma_start3A_1124 = tpu.memref_squeeze %dma_start3A_1123 : memref<1x16x16x128xf32, #tpu.memory_space<vmem>> -> memref<16x16x128xf32, #tpu.memory_space<vmem>>
    %dma_start3A_1125 = arith.constant 0 : i32
    %dma_start3A_1126 = arith.constant 0 : i32
    %dma_start3A_1127 = tpu.memref_slice %arg4[%add3A_1117, %dma_start3A_1125, %dma_start3A_1126] : memref<8192x16x128xf32, #tpu.memory_space<hbm>> -> memref<16x16x128xf32, #tpu.memory_space<hbm>>
    %dma_start3A_1128 = tpu.memref_slice %arg8[%dma_start3A_1119] : memref<2x!tpu.dma_semaphore, #tpu.memory_space<semaphore_mem>> -> memref<1x!tpu.dma_semaphore, #tpu.memory_space<semaphore_mem>>
    %dma_start3A_1129 = tpu.memref_squeeze %dma_start3A_1128 : memref<1x!tpu.dma_semaphore, #tpu.memory_space<semaphore_mem>> -> memref<!tpu.dma_semaphore, #tpu.memory_space<semaphore_mem>>
    %dma_start3A_1130 = arith.constant 0 : i32
    %dma_start3A_1131 = arith.constant 0 : i32
    %dma_start3A_1132 = tpu.memref_slice %arg4[%add3A_1117, %dma_start3A_1130, %dma_start3A_1131] : memref<8192x16x128xf32, #tpu.memory_space<hbm>> -> memref<16x16x128xf32, #tpu.memory_space<hbm>>
    %dma_start3A_1133 = arith.constant 0 : i32
    %dma_start3A_1134 = arith.constant 0 : i32
    %dma_start3A_1135 = arith.constant 0 : i32
    %dma_start3A_1136 = tpu.memref_slice %arg6[%dma_start3A_1118, %dma_start3A_1133, %dma_start3A_1134, %dma_start3A_1135] : memref<2x16x16x128xf32, #tpu.memory_space<vmem>> -> memref<1x16x16x128xf32, #tpu.memory_space<vmem>>
    %dma_start3A_1137 = tpu.memref_squeeze %dma_start3A_1136 : memref<1x16x16x128xf32, #tpu.memory_space<vmem>> -> memref<16x16x128xf32, #tpu.memory_space<vmem>>
    tpu.enqueue_dma source(%dma_start3A_1137 : memref<16x16x128xf32, #tpu.memory_space<vmem>>) target(%dma_start3A_1132 : memref<16x16x128xf32, #tpu.memory_space<hbm>>) target_semaphore(%dma_start3A_1129 : memref<!tpu.dma_semaphore, #tpu.memory_space<semaphore_mem>>)
    %dma_wait3A_1138 = arith.constant 15 : i32
    %dma_wait3A_1139 = arith.constant 1 : i32
    %dma_wait3A_1140 = arith.constant 1 : i32
    %dma_wait3A_1141 = arith.constant 0 : i32
    %dma_wait3A_1142 = arith.constant 0 : i32
    %dma_wait3A_1143 = arith.constant 0 : i32
    %dma_wait3A_1144 = tpu.memref_slice %arg6[%dma_wait3A_1139, %dma_wait3A_1141, %dma_wait3A_1142, %dma_wait3A_1143] : memref<2x16x16x128xf32, #tpu.memory_space<vmem>> -> memref<1x16x16x128xf32, #tpu.memory_space<vmem>>
    %dma_wait3A_1145 = tpu.memref_squeeze %dma_wait3A_1144 : memref<1x16x16x128xf32, #tpu.memory_space<vmem>> -> memref<16x16x128xf32, #tpu.memory_space<vmem>>
    %dma_wait3A_1146 = arith.constant 0 : i32
    %dma_wait3A_1147 = tpu.memref_slice %arg5[%dma_wait3A_1138, %dma_wait3A_1146] : memref<16x16xi32, #tpu.memory_space<vmem>> -> memref<1x16xi32, #tpu.memory_space<vmem>>
    %dma_wait3A_1148 = tpu.memref_squeeze %dma_wait3A_1147 : memref<1x16xi32, #tpu.memory_space<vmem>> -> memref<16xi32, #tpu.memory_space<vmem>>
    %dma_wait3A_1149 = arith.constant 0 : i32
    %dma_wait3A_1150 = arith.constant 0 : i32
    %dma_wait3A_1151 = arith.constant 0 : i32
    %dma_wait3A_1152 = tpu.memref_slice %arg2[%dma_wait3A_1149, %dma_wait3A_1150, %dma_wait3A_1151] : memref<8192x16x128xf32, #tpu.memory_space<hbm>> -> memref<8192x16x128xf32, #tpu.memory_space<hbm>>
    %dma_wait3A_1153 = tpu.memref_slice %arg7[%dma_wait3A_1140] : memref<2x!tpu.dma_semaphore, #tpu.memory_space<semaphore_mem>> -> memref<1x!tpu.dma_semaphore, #tpu.memory_space<semaphore_mem>>
    %dma_wait3A_1154 = tpu.memref_squeeze %dma_wait3A_1153 : memref<1x!tpu.dma_semaphore, #tpu.memory_space<semaphore_mem>> -> memref<!tpu.dma_semaphore, #tpu.memory_space<semaphore_mem>>
    tpu.wait_indirect_dma semaphore(%dma_wait3A_1154 : memref<!tpu.dma_semaphore, #tpu.memory_space<semaphore_mem>>) src(%dma_wait3A_1152 : memref<8192x16x128xf32, #tpu.memory_space<hbm>>) dst(%dma_wait3A_1145 : memref<16x16x128xf32, #tpu.memory_space<vmem>>)
    %add3A_1155 = arith.constant 240 : i32
    %add3A_1156 = arith.addi %mul3A_2, %add3A_1155 : i32
    %dma_start3A_1157 = arith.constant 1 : i32
    %dma_start3A_1158 = arith.constant 1 : i32
    %dma_start3A_1159 = arith.constant 0 : i32
    %dma_start3A_1160 = arith.constant 0 : i32
    %dma_start3A_1161 = arith.constant 0 : i32
    %dma_start3A_1162 = tpu.memref_slice %arg6[%dma_start3A_1157, %dma_start3A_1159, %dma_start3A_1160, %dma_start3A_1161] : memref<2x16x16x128xf32, #tpu.memory_space<vmem>> -> memref<1x16x16x128xf32, #tpu.memory_space<vmem>>
    %dma_start3A_1163 = tpu.memref_squeeze %dma_start3A_1162 : memref<1x16x16x128xf32, #tpu.memory_space<vmem>> -> memref<16x16x128xf32, #tpu.memory_space<vmem>>
    %dma_start3A_1164 = arith.constant 0 : i32
    %dma_start3A_1165 = arith.constant 0 : i32
    %dma_start3A_1166 = tpu.memref_slice %arg4[%add3A_1156, %dma_start3A_1164, %dma_start3A_1165] : memref<8192x16x128xf32, #tpu.memory_space<hbm>> -> memref<16x16x128xf32, #tpu.memory_space<hbm>>
    %dma_start3A_1167 = tpu.memref_slice %arg8[%dma_start3A_1158] : memref<2x!tpu.dma_semaphore, #tpu.memory_space<semaphore_mem>> -> memref<1x!tpu.dma_semaphore, #tpu.memory_space<semaphore_mem>>
    %dma_start3A_1168 = tpu.memref_squeeze %dma_start3A_1167 : memref<1x!tpu.dma_semaphore, #tpu.memory_space<semaphore_mem>> -> memref<!tpu.dma_semaphore, #tpu.memory_space<semaphore_mem>>
    %dma_start3A_1169 = arith.constant 0 : i32
    %dma_start3A_1170 = arith.constant 0 : i32
    %dma_start3A_1171 = tpu.memref_slice %arg4[%add3A_1156, %dma_start3A_1169, %dma_start3A_1170] : memref<8192x16x128xf32, #tpu.memory_space<hbm>> -> memref<16x16x128xf32, #tpu.memory_space<hbm>>
    %dma_start3A_1172 = arith.constant 0 : i32
    %dma_start3A_1173 = arith.constant 0 : i32
    %dma_start3A_1174 = arith.constant 0 : i32
    %dma_start3A_1175 = tpu.memref_slice %arg6[%dma_start3A_1157, %dma_start3A_1172, %dma_start3A_1173, %dma_start3A_1174] : memref<2x16x16x128xf32, #tpu.memory_space<vmem>> -> memref<1x16x16x128xf32, #tpu.memory_space<vmem>>
    %dma_start3A_1176 = tpu.memref_squeeze %dma_start3A_1175 : memref<1x16x16x128xf32, #tpu.memory_space<vmem>> -> memref<16x16x128xf32, #tpu.memory_space<vmem>>
    tpu.enqueue_dma source(%dma_start3A_1176 : memref<16x16x128xf32, #tpu.memory_space<vmem>>) target(%dma_start3A_1171 : memref<16x16x128xf32, #tpu.memory_space<hbm>>) target_semaphore(%dma_start3A_1168 : memref<!tpu.dma_semaphore, #tpu.memory_space<semaphore_mem>>)
    %dma_wait3A_1177 = arith.constant 0 : i32
    %dma_wait3A_1178 = arith.constant 0 : i32
    %dma_wait3A_1179 = arith.constant 0 : i32
    %dma_wait3A_1180 = arith.constant 0 : i32
    %dma_wait3A_1181 = arith.constant 0 : i32
    %dma_wait3A_1182 = tpu.memref_slice %arg6[%dma_wait3A_1177, %dma_wait3A_1179, %dma_wait3A_1180, %dma_wait3A_1181] : memref<2x16x16x128xf32, #tpu.memory_space<vmem>> -> memref<1x16x16x128xf32, #tpu.memory_space<vmem>>
    %dma_wait3A_1183 = tpu.memref_squeeze %dma_wait3A_1182 : memref<1x16x16x128xf32, #tpu.memory_space<vmem>> -> memref<16x16x128xf32, #tpu.memory_space<vmem>>
    %dma_wait3A_1184 = arith.constant 0 : i32
    %dma_wait3A_1185 = arith.constant 0 : i32
    %dma_wait3A_1186 = tpu.memref_slice %arg4[%add3A_1117, %dma_wait3A_1184, %dma_wait3A_1185] : memref<8192x16x128xf32, #tpu.memory_space<hbm>> -> memref<16x16x128xf32, #tpu.memory_space<hbm>>
    %dma_wait3A_1187 = tpu.memref_slice %arg8[%dma_wait3A_1178] : memref<2x!tpu.dma_semaphore, #tpu.memory_space<semaphore_mem>> -> memref<1x!tpu.dma_semaphore, #tpu.memory_space<semaphore_mem>>
    %dma_wait3A_1188 = tpu.memref_squeeze %dma_wait3A_1187 : memref<1x!tpu.dma_semaphore, #tpu.memory_space<semaphore_mem>> -> memref<!tpu.dma_semaphore, #tpu.memory_space<semaphore_mem>>
    %dma_wait3A_1189 = arith.constant 0 : i32
    %dma_wait3A_1190 = arith.constant 0 : i32
    %dma_wait3A_1191 = tpu.memref_slice %arg4[%add3A_1117, %dma_wait3A_1189, %dma_wait3A_1190] : memref<8192x16x128xf32, #tpu.memory_space<hbm>> -> memref<16x16x128xf32, #tpu.memory_space<hbm>>
    %dma_wait3A_1192 = arith.constant 0 : i32
    %dma_wait3A_1193 = arith.constant 0 : i32
    %dma_wait3A_1194 = arith.constant 0 : i32
    %dma_wait3A_1195 = tpu.memref_slice %arg6[%dma_wait3A_1177, %dma_wait3A_1192, %dma_wait3A_1193, %dma_wait3A_1194] : memref<2x16x16x128xf32, #tpu.memory_space<vmem>> -> memref<1x16x16x128xf32, #tpu.memory_space<vmem>>
    %dma_wait3A_1196 = tpu.memref_squeeze %dma_wait3A_1195 : memref<1x16x16x128xf32, #tpu.memory_space<vmem>> -> memref<16x16x128xf32, #tpu.memory_space<vmem>>
    tpu.wait_dma2 semaphore(%dma_wait3A_1188 : memref<!tpu.dma_semaphore, #tpu.memory_space<semaphore_mem>>) src(%dma_wait3A_1196 : memref<16x16x128xf32, #tpu.memory_space<vmem>>) dst(%dma_wait3A_1191 : memref<16x16x128xf32, #tpu.memory_space<hbm>>)
    %dma_wait3A_1197 = arith.constant 1 : i32
    %dma_wait3A_1198 = arith.constant 1 : i32
    %dma_wait3A_1199 = arith.constant 0 : i32
    %dma_wait3A_1200 = arith.constant 0 : i32
    %dma_wait3A_1201 = arith.constant 0 : i32
    %dma_wait3A_1202 = tpu.memref_slice %arg6[%dma_wait3A_1197, %dma_wait3A_1199, %dma_wait3A_1200, %dma_wait3A_1201] : memref<2x16x16x128xf32, #tpu.memory_space<vmem>> -> memref<1x16x16x128xf32, #tpu.memory_space<vmem>>
    %dma_wait3A_1203 = tpu.memref_squeeze %dma_wait3A_1202 : memref<1x16x16x128xf32, #tpu.memory_space<vmem>> -> memref<16x16x128xf32, #tpu.memory_space<vmem>>
    %dma_wait3A_1204 = arith.constant 0 : i32
    %dma_wait3A_1205 = arith.constant 0 : i32
    %dma_wait3A_1206 = tpu.memref_slice %arg4[%add3A_1156, %dma_wait3A_1204, %dma_wait3A_1205] : memref<8192x16x128xf32, #tpu.memory_space<hbm>> -> memref<16x16x128xf32, #tpu.memory_space<hbm>>
    %dma_wait3A_1207 = tpu.memref_slice %arg8[%dma_wait3A_1198] : memref<2x!tpu.dma_semaphore, #tpu.memory_space<semaphore_mem>> -> memref<1x!tpu.dma_semaphore, #tpu.memory_space<semaphore_mem>>
    %dma_wait3A_1208 = tpu.memref_squeeze %dma_wait3A_1207 : memref<1x!tpu.dma_semaphore, #tpu.memory_space<semaphore_mem>> -> memref<!tpu.dma_semaphore, #tpu.memory_space<semaphore_mem>>
    %dma_wait3A_1209 = arith.constant 0 : i32
    %dma_wait3A_1210 = arith.constant 0 : i32
    %dma_wait3A_1211 = tpu.memref_slice %arg4[%add3A_1156, %dma_wait3A_1209, %dma_wait3A_1210] : memref<8192x16x128xf32, #tpu.memory_space<hbm>> -> memref<16x16x128xf32, #tpu.memory_space<hbm>>
    %dma_wait3A_1212 = arith.constant 0 : i32
    %dma_wait3A_1213 = arith.constant 0 : i32
    %dma_wait3A_1214 = arith.constant 0 : i32
    %dma_wait3A_1215 = tpu.memref_slice %arg6[%dma_wait3A_1197, %dma_wait3A_1212, %dma_wait3A_1213, %dma_wait3A_1214] : memref<2x16x16x128xf32, #tpu.memory_space<vmem>> -> memref<1x16x16x128xf32, #tpu.memory_space<vmem>>
    %dma_wait3A_1216 = tpu.memref_squeeze %dma_wait3A_1215 : memref<1x16x16x128xf32, #tpu.memory_space<vmem>> -> memref<16x16x128xf32, #tpu.memory_space<vmem>>
    tpu.wait_dma2 semaphore(%dma_wait3A_1208 : memref<!tpu.dma_semaphore, #tpu.memory_space<semaphore_mem>>) src(%dma_wait3A_1216 : memref<16x16x128xf32, #tpu.memory_space<vmem>>) dst(%dma_wait3A_1211 : memref<16x16x128xf32, #tpu.memory_space<hbm>>)
    return
  }
}

module attributes {stable_mosaic.version = 14 : i64} {
  func.func @_tc_route(%arg0: i32, %arg1: i32, %arg2: memref<8xi32, #tpu.memory_space<smem>>, %arg3: memref<1x512x16x128xf32, #tpu.memory_space<vmem>>, %arg4: memref<1x512x16x128xf32, #tpu.memory_space<vmem>>) attributes {dimension_semantics = [#tpu.dimension_semantics<arbitrary>, #tpu.dimension_semantics<arbitrary>], iteration_bounds = array<i64: 2, 8>, scalar_prefetch = 1 : i64, scratch_operands = 0 : i64, tpu.core_type = #tpu.core_type<tc>, window_params = [{transform_indices = @transform_0, window_bounds = array<i64: 1, 512, 16, 128>}, {transform_indices = @transform_1, window_bounds = array<i64: 1, 512, 16, 128>}]} {
    %get3A = arith.constant 0 : index
    %get3A_0 = arith.constant 0 : index
    %get3A_1 = arith.constant 0 : index
    %get3A_2 = arith.constant 0 : index
    %get3A_3 = vector.load %arg3[%get3A, %get3A_0, %get3A_1, %get3A_2] : memref<1x512x16x128xf32, #tpu.memory_space<vmem>>, vector<1x512x16x128xf32>
    %swap3A = arith.constant 0 : index
    %swap3A_4 = arith.constant 0 : index
    %swap3A_5 = arith.constant 0 : index
    %swap3A_6 = arith.constant 0 : index
    %swap3A_7 = vector.load %arg4[%swap3A, %swap3A_4, %swap3A_5, %swap3A_6] : memref<1x512x16x128xf32, #tpu.memory_space<vmem>>, vector<1x512x16x128xf32>
    tpu.vector_store %arg4[%swap3A, %swap3A_4, %swap3A_5, %swap3A_6], %get3A_3 {strides = array<i32>} : memref<1x512x16x128xf32, #tpu.memory_space<vmem>>, vector<1x512x16x128xf32>,
    return
  }
  func.func @transform_0(%arg0: i32, %arg1: i32, %arg2: memref<8xi32, #tpu.memory_space<smem>>) -> (i32, i32, i32, i32) {
    %get3A = arith.index_cast %arg1 : i32 to index
    %get3A_0 = memref.load %arg2[%get3A] : memref<8xi32, #tpu.memory_space<smem>>
    %c0_i32 = arith.constant 0 : i32
    %c0_i32_1 = arith.constant 0 : i32
    %c0_i32_2 = arith.constant 0 : i32
    return %arg0, %get3A_0, %c0_i32, %c0_i32_1 : i32, i32, i32, i32
  }
  func.func @transform_1(%arg0: i32, %arg1: i32, %arg2: memref<8xi32, #tpu.memory_space<smem>>) -> (i32, i32, i32, i32) {
    %c0_i32 = arith.constant 0 : i32
    %c0_i32_0 = arith.constant 0 : i32
    %c0_i32_1 = arith.constant 0 : i32
    return %arg0, %arg1, %c0_i32, %c0_i32_0 : i32, i32, i32, i32
  }
}

</mosaic_0001>

<sc_bundles>
// kernel: kernel.4.cloned.1.call-start
scs
__scs_entry_jumppad:
0x0: {  	(pc) =	sbr.rel $0x88, $3  }
0x1: {  	(tag) =	ssettag $0x0;
	lr =	simm.s32 $0x1  }
0x2: {  	[smem:$0x3F9E] =	sst lr;
	_ =	strace $0xD0000000  }
0x3: {  	_ = 	snop  }
0x4: {  	_ = 	snop  }
0x5: {  	_ = 	snop  }
0x6: {  	_ = 	snop  }
0x7: {  	_ = 	snop  }
__scs_overlays_trampoline_lowered:
0x8: {  	[smem:$0x3FAD] =	sst s0  }
0x9: {  	[smem:$0x3FAE] =	sst s1  }
0xa: {  	[smem:$0x3FAF] =	sst s2  }
0xb: {  	[smem:$0x3FB0] =	sst s3  }
0xc: {  	[smem:$0x3FB1] =	sst s4  }
0xd: {  	[smem:$0x3FB2] =	sst s5  }
0xe: {  	[smem:$0x3FB3] =	sst s6  }
0xf: {  	[smem:$0x3FB4] =	sst s7  }
0x10: {  	[smem:$0x3FB5] =	sst s8  }
0x11: {  	[smem:$0x3FB6] =	sst s9;
	s0 =	simm.s32 @!p0 $0x0  }
0x12: {  	s1 =	sld [smem:$0x3F9C];
	s0 =	simm.s32 @p0 $0x1  }
0x13: {  	[smem:$0x3FB7] =	sst s0;
	s0 =	simm.s32 @!p1 $0x0  }
0x14: {  	s2 =	sld [smem:$0x3F9B];
	s0 =	simm.s32 @p1 $0x1  }
0x15: {  	[smem:$0x3FB8] =	sst s0;
	s0 =	simm.s32 @!p2 $0x0  }
0x16: {  	s3 =	sld [smem:$0x3FDB];
	s0 =	simm.s32 @p2 $0x1  }
0x17: {  	s4 =	simm.s32 $0x1BF5;
	[smem:$0x3FBA] =	sst s0  }
0x18: {  	s0 =	sld [smem:$0x3F9D];
	_ =	swait.ge [sflag:s4], $0x0  }
0x19: {  	s7 =	sld [smem:$0x3F9E]  }
0x1a: {  	s8 =	sadd.s32 $0xFFFFE003, lr  }
0x1b: {  	s9 =	sadd.s32 $0xFFFFFEF7, lr;
	s5 =	simm.s32 $0xFFFFFFFF;
	p2 =	slt.u32 s8, $0xFFFFF086  }
0x1c: {  	p1 =	slt.u32 s9, $0xF7A;
	s5 =	simm.s32 @!p2 $0x0  }
0x1d: {  	s5 =	simm.s32 @p1 $0x1;
	p0 =	seq.s32 s7, s2  }
0x1e: {  	s7 =	smul.u32 @!p0 $0xF7A, s2;
	p2 =	seq.s32 @!p0 s5, $0x0  }
0x1f: {  	s9 =	smul.u32 $0xF7A, s1;
	s8 =	simm.s32 @!p0 $0x1BF5;
	p2 =	por !p2, p0  }
0x20: {  	[sflag:s8] =	ssyncset.s32 @!p0 $0xFFFFF086;
	s6 =	sadd.s32 @!p0 s3, s7;
	s7 =	simm.s32 @!p0 $0x108  }
0x21: {  	s3 =	sadd.s32 s3, s9;
	s6 =	sadd.s32 @!p0 $0x88, s6;
	s7 =	simm.s32 @p2 $0x1082  }
0x22: {  	[simem:s7], [sflag:s8] =	dma.local @!p0 [hbm:s6], $0xF7A  }
0x23: {  	s9 =	sor.u32 $0xD0000000, s2;
	s6 =	simm.s32 $0x108;
	_ =	swait.ge @!p0 [sflag:s8], $0x0  }
0x24: {  	s3 =	sadd.s32 $0x88, s3;
	s6 =	simm.s32 @!p1 $0x1082;
	[sflag:s4] =	ssyncset.s32 $0xFFFFF086  }
0x25: {  	[simem:s6], [sflag:s4] =	dma.local [hbm:s3], $0xF7A  }
0x26: {  	[smem:$0x3F9E] =	sst s1;
	(tag) =	ssettag s2;
	_ =	strace s9  }
0x27: {  	s1 =	sld [smem:$0x3FAE]  }
0x28: {  	s2 =	sld [smem:$0x3FAF]  }
0x29: {  	s4 =	sld [smem:$0x3FB1]  }
0x2a: {  	p0 =	seq.s32 s5, $0x0;
	s5 =	sld [smem:$0x3FB2]  }
0x2b: {  	s6 =	sld [smem:$0x3FB3]  }
0x2c: {  	s7 =	sld [smem:$0x3FB4]  }
0x2d: {  	s3 =	simm.s32 $0x108;
	s8 =	sld [smem:$0x3FB5]  }
0x2e: {  	s3 =	simm.s32 @!p0 $0x1082;
	s9 =	sld [smem:$0x3FB6]  }
0x2f: {  	lr =	sadd.s32 s0, s3;
	s0 =	sld [smem:$0x3FAD]  }
0x30: {  	s3 =	sld [smem:$0x3FB0]  }
0x31: {  	[smem:$0x3FB9] =	sst s10  }
0x32: {  	s10 =	sld [smem:$0x3FB7];
	_ =	sdelay $0x3  }
0x33: {  	p0 =	seq.s32 s10, $0x1;
	s10 =	sld [smem:$0x3FB9];
	_ =	sdelay $0x3  }
0x34: {  	[smem:$0x3FB9] =	sst s10  }
0x35: {  	s10 =	sld [smem:$0x3FB8];
	_ =	sdelay $0x3  }
0x36: {  	p1 =	seq.s32 s10, $0x1;
	s10 =	sld [smem:$0x3FB9];
	_ =	sdelay $0x3  }
0x37: {  	[smem:$0x3FB9] =	sst s10  }
0x38: {  	s10 =	sld [smem:$0x3FBA]  }
0x39: {  	_ = 	snop;
	(pc) =	sbr.ind lr, $3  }
0x3a: {  	_ = 	snop  }
0x3b: {  	_ = 	snop  }
0x3c: {  	p2 =	seq.s32 s10, $0x1;
	s10 =	sld [smem:$0x3FB9]  }
0x3d: {  	_ =	shalt  }
0x3e: {  	_ =	shalt  }
0x3f: {  	_ =	shalt  }
0x40: {  	_ =	shalt  }
0x41: {  	_ =	shalt  }
0x42: {  	_ =	shalt  }
0x43: {  	_ =	shalt  }
0x44: {  	_ =	shalt  }
0x45: {  	_ =	shalt  }
0x46: {  	_ =	shalt  }
0x47: {  	_ =	shalt  }
0x48: {  	_ =	shalt  }
0x49: {  	_ =	shalt  }
0x4a: {  	_ =	shalt  }
0x4b: {  	_ =	shalt  }
0x4c: {  	_ =	shalt  }
0x4d: {  	_ =	shalt  }
0x4e: {  	_ =	shalt  }
0x4f: {  	_ =	shalt  }
0x50: {  	_ =	shalt  }
0x51: {  	_ =	shalt  }
0x52: {  	_ =	shalt  }
0x53: {  	_ =	shalt  }
0x54: {  	_ =	shalt  }
0x55: {  	_ =	shalt  }
0x56: {  	_ =	shalt  }
0x57: {  	_ =	shalt  }
0x58: {  	_ =	shalt  }
0x59: {  	_ =	shalt  }
0x5a: {  	_ =	shalt  }
0x5b: {  	_ =	shalt  }
0x5c: {  	_ =	shalt  }
0x5d: {  	_ =	shalt  }
0x5e: {  	_ =	shalt  }
0x5f: {  	_ =	shalt  }
0x60: {  	_ =	shalt  }
0x61: {  	_ =	shalt  }
0x62: {  	_ =	shalt  }
0x63: {  	_ =	shalt  }
0x64: {  	_ =	shalt  }
0x65: {  	_ =	shalt  }
0x66: {  	_ =	shalt  }
0x67: {  	_ =	shalt  }
0x68: {  	_ =	shalt  }
0x69: {  	_ =	shalt  }
0x6a: {  	_ =	shalt  }
0x6b: {  	_ =	shalt  }
0x6c: {  	_ =	shalt  }
0x6d: {  	_ =	shalt  }
0x6e: {  	_ =	shalt  }
0x6f: {  	_ =	shalt  }
0x70: {  	_ =	shalt  }
0x71: {  	_ =	shalt  }
0x72: {  	_ =	shalt  }
0x73: {  	_ =	shalt  }
0x74: {  	_ =	shalt  }
0x75: {  	_ =	shalt  }
0x76: {  	_ =	shalt  }
0x77: {  	_ =	shalt  }
0x78: {  	_ =	shalt  }
0x79: {  	_ =	shalt  }
0x7a: {  	_ =	shalt  }
0x7b: {  	_ =	shalt  }
0x7c: {  	_ =	shalt  }
0x7d: {  	_ =	shalt  }
0x7e: {  	_ =	shalt  }
0x7f: {  	_ =	shalt  }
0x80: {  	_ =	shalt  }
0x81: {  	_ =	shalt  }
0x82: {  	_ =	shalt  }
0x83: {  	_ =	shalt  }
0x84: {  	_ =	shalt  }
0x85: {  	_ =	shalt  }
0x86: {  	_ =	shalt  }
0x87: {  	_ =	shalt  }
.Lfunc_end0:
.L_simem_size_0:
called_computation_lowered:
.L_overlay_start_0:
0x88: {  	s2 =	sld [smem:$0x3FD9]  }
0x89: {  	s3 =	sld [smem:$0x3FFE];
	_ =	sdelay $0x1  }
0x8a: {  	s1 =	srdreg.scid  }
0x8b: {  	s0 =	sand.u32 $0x1, s1  }
0x8c: {  	s14 =	sshll.u32 s0, $0xA;
	s2 =	sadd.s32 s3, s2  }
0x8d: {  	s2 =	sadd.s32 s2, s14  }
0x8e: {  	[smem:$0x3FC5] =	sst s2  }
0x8f: {  	_ = 	snop  }
0x90: {  	s2 =	sld [smem:$0x3FD0];
	_ =	sdelay $0x2  }
0x91: {  	s4 =	simm.s32 $0xA;
	s5 =	simm.s32 $0x10;
	s15 =	sld [smem:$0x3FC8]  }
0x92: {  	[smem:s5], [sflag:s4] =	dma.local [hbm:s2], $0x1  }
0x93: {  	_ =	swait.eq [sflag:s4], $0x1  }
0x94: {  	[sflag:s4] =	ssyncset.done $0x0  }
0x95: {  	[sflag:s4] =	ssyncadd.s32 $0xFFFFFFFF  }
0x96: {  	s16 =	sld [smem:$0x11];
	(tm) =	ssettm $0x1  }
0x97: {  	s17 =	sld [smem:$0x3FFB];
	_ =	sdelay $0x3  }
0x98: {  	_ =	strace s17  }
0x99: {  	s4 =	sld [smem:$0x3FFC];
	_ =	sdelay $0x3  }
0x9a: {  	_ =	strace s4  }
0x9b: {  	s4 =	sld [smem:$0x3FFD];
	_ =	sdelay $0x3  }
0x9c: {  	_ =	strace s4  }
0x9d: {  	_ =	strace $0x8FFFFFFF  }
0x9e: {  	s18 =	sld [smem:$0x3FDB];
	_ =	sdelay $0x1  }
0x9f: {  	s19 =	simm.s32 $_scs_section_size  }
0xa0: {  	s6 =	simm.s32 $_size__tile_overlayer_lowered;
	s7 =	simm.s32 $_tile_overlayer_lowered  }
0xa1: {  	s22 =	simm.s32 $0x1BFF;
	s21 =	sshll.u32 s7, $0x1;
	s4 =	sadd.s32 s19, s18  }
0xa2: {  	s8 =	simm.s32 $0x0;
	s20 =	sshll.u32 s6, $0x1;
	s6 =	sadd.s32 s21, s4  }
0xa3: {  	[timem:s8], [sflag:s22] =	dma.local [hbm:s6], s20  }
0xa4: {  	_ =	swait.ge [sflag:s22], s20  }
0xa5: {  	s5 =	ssub.s32 $0x0, s20;
	[sflag:s22] =	ssyncset.done $0x0  }
0xa6: {  	[sflag:s22] =	ssyncadd.s32 s5;
	_ =	sdelay $0x1  }
0xa7: {  	s23 =	simm.s32 $0x1B8B  }
0xa8: {  	_ =	swait.ge [sflag:s23], $0x1  }
0xa9: {  	[sflag:s23] =	ssyncset.done $0x0  }
0xaa: {  	s25 =	simm.s32 $0x1B8E;
	s24 =	sld [smem:$0x3FFE];
	[sflag:s23] =	ssyncadd.s32 $0xFFFFFFFF  }
0xab: {  	s26 =	simm.s32 $execute0_lowered;
	[smem:$0x3FD2] =	sst s25  }
0xac: {  	s6 =	sshll.u32 s26, $0x1;
	_ =	strace $0x80000046;
	[dreg:$0x1] =	wrdreg $0xFFFFFFFF  }
0xad: {  	s28 =	simm.s32 $_size_execute0_lowered;
	s4 =	sadd.s32 s4, s6;
	[dreg:$0x0] =	wrdreg $0x0  }
0xae: {  	s6 =	sshll.u32 s28, $0x1;
	[dreg:$0x2] =	wrdreg s4  }
0xaf: {  	[dreg:$0x3] =	wrdreg s6  }
0xb0: {  	[dreg:$0x4] =	wrdreg $0xC0  }
0xb1: {  	_ =	task [dreg:s8], $0x5FFFF  }
0xb2: {  	[dreg:$0x1] =	wrdreg $0xFFFFFFFF  }
0xb3: {  	[dreg:$0x0] =	wrdreg $0x60  }
0xb4: {  	[dreg:$0x2] =	wrdreg s15  }
0xb5: {  	[dreg:$0x3] =	wrdreg s24  }
0xb6: {  	[dreg:$0x4] =	wrdreg s16  }
0xb7: {  	[dreg:$0x5] =	wrdreg $0x9  }
0xb8: {  	_ =	task.clear_ibuf [dreg:s8], $0x6FFFF;
	_ =	strace $0x90000046  }
0xb9: {  	s29 =	simm.s32 $0x9;
	_ =	strace $0x80000048  }
0xba: {  	_ =	swait.ge [sflag:s29], $0x1  }
0xbb: {  	[sflag:s29] =	ssyncadd.s32 $0xFFFFFFFF  }
0xbc: {  	_ =	strace $0x90000048  }
0xbd: {  	_ =	sfence  }
0xbe: {  	s30 =	sld [smem:$0x0];
	_ =	sdelay $0x2  }
0xbf: {  	s31 =	sshll.u32 s1, $0xD;
	s1 =	sshrl.u32 s1, $0x2  }
0xc0: {  	s3 =	sand.u32 $0x4000, s31;
	s1 =	sadd.s32 s1, s30  }
0xc1: {  	s0 =	sor.u32 s3, s0;
	s1 =	sshll.u32 s1, $0x11  }
0xc2: {  	s0 =	sor.u32 s1, s0  }
0xc3: {  	s0 =	sadd.s32 $0x8F2B, s0  }
0xc4: {  	[sflag:s0] =	ssyncadd.remote.s32 $0x1  }
0xc5: {  	_ =	sfence.sel $0xFFFF  }
0xc6: {  	[dreg:$0x0] =	wrdreg $0xFFFFFFFF;
	(pc) =	sbr.abs _section_cstart, $3  }
0xc7: {  	[dreg:$0x1] =	wrdreg $0xFFFFFFFF  }
0xc8: {  	_ =	task.clear_ibuf [dreg:s8], $0x2FFFF;
	_ =	strace $0x9FFFFFFF  }
0xc9: {  	(tm) =	ssettm $0x7FFFFFFF  }
tec
execute0_lowered:
.L_overlay_start_1:
0x0: {  	(tag) =	ssettag $0x1  }
0x1: {  	s2 =	rddreg [dreg:$0x0]  }
0x2: {  	s1 =	rddreg [dreg:$0x1];
	s3 =	srdreg.scid  }
0x3: {  	s0 =	stileid.u32;
	s4 =	rddreg [dreg:$0x2]  }
0x4: {  	s30 =	simm.s32 $0x5;
	s31 =	simm.s32 $0x80;
	s29 =	simm.s32 $0x100  }
0x5: {  	s28 =	simm.s32 $0x180;
	s5 =	sand.u32 $0x1, s3;
	s6 =	sshll.u32 s0, $0x1  }
0x6: {  	s26 =	simm.s32 $0x200;
	s25 =	simm.s32 $0x280;
	s6 =	sor.u32 s5, s6  }
0x7: {  	s3 =	simm.s32 $0x0;
	s7 =	sshll.u32 s6, $0x8;
	s6 =	sshll.u32 s6, $0x10  }
0x8: {  	[smem:$0x7FF] =	sst s3;
	s1 =	sadd.s32 s1, s7;
	s23 =	sadd.s32 s4, s6  }
0x9: {  	_ =	strace $0x80000047;
	[dreg:$0x4] =	wrdreg s1;
	s4 =	sadd.s32 $0x1000, s23  }
0xa: {  	s24 =	simm.s32 $0x300;
	s6 =	sadd.s32 $0x2000, s23;
	[dreg:$0x5] =	wrdreg s4  }
0xb: {  	s22 =	simm.s32 $0x380;
	s7 =	sadd.s32 $0x3000, s23;
	[dreg:$0x6] =	wrdreg s6  }
0xc: {  	s21 =	simm.s32 $0x400;
	s8 =	sadd.s32 $0x4000, s23;
	[dreg:$0x7] =	wrdreg s7  }
0xd: {  	s20 =	simm.s32 $0x480;
	s9 =	sadd.s32 $0x5000, s23;
	[dreg:$0x8] =	wrdreg s8  }
0xe: {  	p0 =	por $0x0, $0x0;
	s10 =	sadd.s32 $0x6000, s23;
	[dreg:$0x9] =	wrdreg s9  }
0xf: {  	s15 =	ssub.s32 $0x2, s5;
	s11 =	sadd.s32 $0x7000, s23;
	[dreg:$0xa] =	wrdreg s10  }
0x10: {  	s5 =	sshrl.u32 s15, $0x1;
	s12 =	sadd.s32 $0x8000, s23;
	[dreg:$0xb] =	wrdreg s11  }
0x11: {  	s18 =	ssub.s32 s15, s5;
	s13 =	sadd.s32 $0x9000, s23;
	[dreg:$0xc] =	wrdreg s12  }
0x12: {  	s15 =	simm.s32 $0x700;
	s14 =	sadd.s32 $0xA000, s23;
	[dreg:$0xd] =	wrdreg s13  }
0x13: {  	s16 =	sadd.s32 $0xB000, s23;
	s17 =	sadd.s32 $0xC000, s23;
	[dreg:$0xe] =	wrdreg s14  }
0x14: {  	s5 =	sadd.s32 $0xE000, s23;
	s19 =	smax.u32 s18, $0x1;
	[dreg:$0xf] =	wrdreg s16  }
0x15: {  	s18 =	simm.s32 $0x580;
	[dreg:$0x10] =	wrdreg s17;
	p1 =	sne.s32 s19, $0x1  }
.Ltmp0:
0x16: {  	s10 =	sadd.s32 $0xD000, s23;
	s4 =	sadd.s32 $0xF000, s23;
	(pc) =	sbr.rel @!p1 .LBB2_3-.Ltmp0, $4  }
0x17: {  	s11 =	simm.s32 $0x10;
	s9 =	simm.s32 $0x800;
	s8 =	simm.s32 $0x8800  }
0x18: {  	s13 =	simm.s32 $0x1;
	s6 =	simm.s32 $0x3;
	s12 =	simm.s32 $0x2  }
0x19: {  	s7 =	simm.s32 $0x4;
	s1 =	sadd.s32 $0xFFFFFFFF, s19;
	s19 =	simm.s32 $0x500  }
0x1a: {  	s17 =	simm.s32 $0x600;
	s16 =	simm.s32 $0x680;
	s14 =	simm.s32 $0x780  }
0x1b: {  	s0 =	rddreg [dreg:$0x4]  }
0x1c: {  	[tilespmem:s3], [sflag:$0x5] =	stream.linear.gather [hbm4b:s0+s3], $0x800, $0x38;
	[tilespmem:$0x10800] =	vst v63  }
0x1d: {  	_ =	swait.ge [sflag:s30], $0x800  }
0x1e: {  	[sflag:s30] =	ssyncset.done $0x0  }
0x1f: {  	[sflag:s30] =	ssyncadd.s32 $0xFFFFF800  }
0x20: {  	[tilespmem:s9], [sflag:$0x1] =	stream.indirect.gather [hbm4b:s2+s11], $0x800, s3, s11, $0xb8;
	[tilespmem:$0x10800] =	vst v63  }
0x21: {  	_ = 	snop  }
0x22: {  	[tilespmem:s8], [sflag:$0x2] =	stream.indirect.gather [hbm4b:s2+s11], $0x800, s31, s11, $0xb8;
	[tilespmem:$0x10800] =	vst v63  }
0x23: {  	_ =	swait.ge [sflag:s13], $0x8000  }
0x24: {  	[sflag:s13] =	ssyncset.done $0x0  }
0x25: {  	[sflag:s13] =	ssyncadd.s32 $0xFFFF8000  }
0x26: {  	[hbm4b:s23+s3] =	stream.linear.scatter [tilespmem:s9], [sflag:$0x3], $0x8000, $0x38;
	[tilespmem:$0x10800] =	vst v63  }
0x27: {  	_ =	swait.ge [sflag:s6], $0x8000  }
0x28: {  	[sflag:s6] =	ssyncset.done $0x0  }
0x29: {  	[sflag:s6] =	ssyncadd.s32 $0xFFFF8000  }
0x2a: {  	[tilespmem:s9], [sflag:$0x1] =	stream.indirect.gather [hbm4b:s2+s11], $0x800, s29, s11, $0xb8;
	[tilespmem:$0x10800] =	vst v63  }
0x2b: {  	_ =	swait.ge [sflag:s12], $0x8000  }
0x2c: {  	[sflag:s12] =	ssyncset.done $0x0  }
0x2d: {  	s0 =	rddreg [dreg:$0x5];
	[sflag:s12] =	ssyncadd.s32 $0xFFFF8000  }
0x2e: {  	[hbm4b:s0+s3] =	stream.linear.scatter [tilespmem:s8], [sflag:$0x4], $0x8000, $0x38;
	[tilespmem:$0x10800] =	vst v63  }
0x2f: {  	_ =	swait.ge [sflag:s7], $0x8000  }
0x30: {  	[sflag:s7] =	ssyncset.done $0x0  }
0x31: {  	[sflag:s7] =	ssyncadd.s32 $0xFFFF8000  }
0x32: {  	[tilespmem:s8], [sflag:$0x2] =	stream.indirect.gather [hbm4b:s2+s11], $0x800, s28, s11, $0xb8;
	[tilespmem:$0x10800] =	vst v63  }
0x33: {  	_ =	swait.ge [sflag:s13], $0x8000  }
0x34: {  	[sflag:s13] =	ssyncset.done $0x0  }
0x35: {  	s0 =	rddreg [dreg:$0x6];
	[sflag:s13] =	ssyncadd.s32 $0xFFFF8000  }
0x36: {  	[hbm4b:s0+s3] =	stream.linear.scatter [tilespmem:s9], [sflag:$0x3], $0x8000, $0x38;
	[tilespmem:$0x10800] =	vst v63  }
0x37: {  	_ =	swait.ge [sflag:s6], $0x8000  }
0x38: {  	[sflag:s6] =	ssyncset.done $0x0  }
0x39: {  	[sflag:s6] =	ssyncadd.s32 $0xFFFF8000  }
0x3a: {  	[tilespmem:s9], [sflag:$0x1] =	stream.indirect.gather [hbm4b:s2+s11], $0x800, s26, s11, $0xb8;
	[tilespmem:$0x10800] =	vst v63  }
0x3b: {  	_ =	swait.ge [sflag:s12], $0x8000  }
0x3c: {  	[sflag:s12] =	ssyncset.done $0x0  }
0x3d: {  	s0 =	rddreg [dreg:$0x7];
	[sflag:s12] =	ssyncadd.s32 $0xFFFF8000  }
0x3e: {  	[hbm4b:s0+s3] =	stream.linear.scatter [tilespmem:s8], [sflag:$0x4], $0x8000, $0x38;
	[tilespmem:$0x10800] =	vst v63  }
0x3f: {  	_ =	swait.ge [sflag:s7], $0x8000  }
0x40: {  	[sflag:s7] =	ssyncset.done $0x0  }
0x41: {  	[sflag:s7] =	ssyncadd.s32 $0xFFFF8000  }
0x42: {  	[tilespmem:s8], [sflag:$0x2] =	stream.indirect.gather [hbm4b:s2+s11], $0x800, s25, s11, $0xb8;
	[tilespmem:$0x10800] =	vst v63  }
0x43: {  	_ =	swait.ge [sflag:s13], $0x8000  }
0x44: {  	[sflag:s13] =	ssyncset.done $0x0  }
0x45: {  	s0 =	rddreg [dreg:$0x8];
	[sflag:s13] =	ssyncadd.s32 $0xFFFF8000  }
0x46: {  	[hbm4b:s0+s3] =	stream.linear.scatter [tilespmem:s9], [sflag:$0x3], $0x8000, $0x38;
	[tilespmem:$0x10800] =	vst v63  }
0x47: {  	_ =	swait.ge [sflag:s6], $0x8000  }
0x48: {  	[sflag:s6] =	ssyncset.done $0x0  }
0x49: {  	[sflag:s6] =	ssyncadd.s32 $0xFFFF8000  }
0x4a: {  	[tilespmem:s9], [sflag:$0x1] =	stream.indirect.gather [hbm4b:s2+s11], $0x800, s24, s11, $0xb8;
	[tilespmem:$0x10800] =	vst v63  }
0x4b: {  	_ =	swait.ge [sflag:s12], $0x8000  }
0x4c: {  	[sflag:s12] =	ssyncset.done $0x0  }
0x4d: {  	s0 =	rddreg [dreg:$0x9];
	[sflag:s12] =	ssyncadd.s32 $0xFFFF8000  }
0x4e: {  	[hbm4b:s0+s3] =	stream.linear.scatter [tilespmem:s8], [sflag:$0x4], $0x8000, $0x38;
	[tilespmem:$0x10800] =	vst v63  }
0x4f: {  	_ =	swait.ge [sflag:s7], $0x8000  }
0x50: {  	[sflag:s7] =	ssyncset.done $0x0  }
0x51: {  	[sflag:s7] =	ssyncadd.s32 $0xFFFF8000  }
0x52: {  	[tilespmem:s8], [sflag:$0x2] =	stream.indirect.gather [hbm4b:s2+s11], $0x800, s22, s11, $0xb8;
	[tilespmem:$0x10800] =	vst v63  }
0x53: {  	_ =	swait.ge [sflag:s13], $0x8000  }
0x54: {  	[sflag:s13] =	ssyncset.done $0x0  }
0x55: {  	s0 =	rddreg [dreg:$0xa];
	[sflag:s13] =	ssyncadd.s32 $0xFFFF8000  }
0x56: {  	[hbm4b:s0+s3] =	stream.linear.scatter [tilespmem:s9], [sflag:$0x3], $0x8000, $0x38;
	[tilespmem:$0x10800] =	vst v63  }
0x57: {  	_ =	swait.ge [sflag:s6], $0x8000  }
0x58: {  	[sflag:s6] =	ssyncset.done $0x0  }
0x59: {  	[sflag:s6] =	ssyncadd.s32 $0xFFFF8000  }
0x5a: {  	[tilespmem:s9], [sflag:$0x1] =	stream.indirect.gather [hbm4b:s2+s11], $0x800, s21, s11, $0xb8;
	[tilespmem:$0x10800] =	vst v63  }
0x5b: {  	_ =	swait.ge [sflag:s12], $0x8000  }
0x5c: {  	[sflag:s12] =	ssyncset.done $0x0  }
0x5d: {  	s0 =	rddreg [dreg:$0xb];
	[sflag:s12] =	ssyncadd.s32 $0xFFFF8000  }
0x5e: {  	[hbm4b:s0+s3] =	stream.linear.scatter [tilespmem:s8], [sflag:$0x4], $0x8000, $0x38;
	[tilespmem:$0x10800] =	vst v63  }
0x5f: {  	_ =	swait.ge [sflag:s7], $0x8000  }
0x60: {  	[sflag:s7] =	ssyncset.done $0x0  }
0x61: {  	[sflag:s7] =	ssyncadd.s32 $0xFFFF8000  }
0x62: {  	[tilespmem:s8], [sflag:$0x2] =	stream.indirect.gather [hbm4b:s2+s11], $0x800, s20, s11, $0xb8;
	[tilespmem:$0x10800] =	vst v63  }
0x63: {  	_ =	swait.ge [sflag:s13], $0x8000  }
0x64: {  	[sflag:s13] =	ssyncset.done $0x0  }
0x65: {  	s0 =	rddreg [dreg:$0xc];
	[sflag:s13] =	ssyncadd.s32 $0xFFFF8000  }
0x66: {  	[hbm4b:s0+s3] =	stream.linear.scatter [tilespmem:s9], [sflag:$0x3], $0x8000, $0x38;
	[tilespmem:$0x10800] =	vst v63  }
0x67: {  	_ =	swait.ge [sflag:s6], $0x8000  }
0x68: {  	[sflag:s6] =	ssyncset.done $0x0  }
0x69: {  	[sflag:s6] =	ssyncadd.s32 $0xFFFF8000  }
0x6a: {  	[tilespmem:s9], [sflag:$0x1] =	stream.indirect.gather [hbm4b:s2+s11], $0x800, s19, s11, $0xb8;
	[tilespmem:$0x10800] =	vst v63  }
0x6b: {  	_ =	swait.ge [sflag:s12], $0x8000  }
0x6c: {  	[sflag:s12] =	ssyncset.done $0x0  }
0x6d: {  	s0 =	rddreg [dreg:$0xd];
	[sflag:s12] =	ssyncadd.s32 $0xFFFF8000  }
0x6e: {  	[hbm4b:s0+s3] =	stream.linear.scatter [tilespmem:s8], [sflag:$0x4], $0x8000, $0x38;
	[tilespmem:$0x10800] =	vst v63  }
0x6f: {  	_ =	swait.ge [sflag:s7], $0x8000  }
0x70: {  	[sflag:s7] =	ssyncset.done $0x0  }
0x71: {  	[sflag:s7] =	ssyncadd.s32 $0xFFFF8000  }
0x72: {  	[tilespmem:s8], [sflag:$0x2] =	stream.indirect.gather [hbm4b:s2+s11], $0x800, s18, s11, $0xb8;
	[tilespmem:$0x10800] =	vst v63  }
0x73: {  	_ =	swait.ge [sflag:s13], $0x8000  }
0x74: {  	[sflag:s13] =	ssyncset.done $0x0  }
0x75: {  	s0 =	rddreg [dreg:$0xe];
	[sflag:s13] =	ssyncadd.s32 $0xFFFF8000  }
0x76: {  	[hbm4b:s0+s3] =	stream.linear.scatter [tilespmem:s9], [sflag:$0x3], $0x8000, $0x38;
	[tilespmem:$0x10800] =	vst v63  }
0x77: {  	_ =	swait.ge [sflag:s6], $0x8000  }
0x78: {  	[sflag:s6] =	ssyncset.done $0x0  }
0x79: {  	[sflag:s6] =	ssyncadd.s32 $0xFFFF8000  }
0x7a: {  	[tilespmem:s9], [sflag:$0x1] =	stream.indirect.gather [hbm4b:s2+s11], $0x800, s17, s11, $0xb8;
	[tilespmem:$0x10800] =	vst v63  }
0x7b: {  	_ =	swait.ge [sflag:s12], $0x8000  }
0x7c: {  	[sflag:s12] =	ssyncset.done $0x0  }
0x7d: {  	s0 =	rddreg [dreg:$0xf];
	[sflag:s12] =	ssyncadd.s32 $0xFFFF8000  }
0x7e: {  	[hbm4b:s0+s3] =	stream.linear.scatter [tilespmem:s8], [sflag:$0x4], $0x8000, $0x38;
	[tilespmem:$0x10800] =	vst v63  }
0x7f: {  	_ =	swait.ge [sflag:s7], $0x8000  }
0x80: {  	[sflag:s7] =	ssyncset.done $0x0  }
0x81: {  	[sflag:s7] =	ssyncadd.s32 $0xFFFF8000  }
0x82: {  	[tilespmem:s8], [sflag:$0x2] =	stream.indirect.gather [hbm4b:s2+s11], $0x800, s16, s11, $0xb8;
	[tilespmem:$0x10800] =	vst v63  }
0x83: {  	_ =	swait.ge [sflag:s13], $0x8000  }
0x84: {  	[sflag:s13] =	ssyncset.done $0x0  }
0x85: {  	s0 =	rddreg [dreg:$0x10];
	[sflag:s13] =	ssyncadd.s32 $0xFFFF8000  }
0x86: {  	[hbm4b:s0+s3] =	stream.linear.scatter [tilespmem:s9], [sflag:$0x3], $0x8000, $0x38;
	[tilespmem:$0x10800] =	vst v63  }
0x87: {  	_ =	swait.ge [sflag:s6], $0x8000  }
0x88: {  	[sflag:s6] =	ssyncset.done $0x0  }
0x89: {  	[sflag:s6] =	ssyncadd.s32 $0xFFFF8000  }
0x8a: {  	[tilespmem:s9], [sflag:$0x1] =	stream.indirect.gather [hbm4b:s2+s11], $0x800, s15, s11, $0xb8;
	[tilespmem:$0x10800] =	vst v63  }
0x8b: {  	_ =	swait.ge [sflag:s12], $0x8000  }
0x8c: {  	[sflag:s12] =	ssyncset.done $0x0  }
0x8d: {  	[sflag:s12] =	ssyncadd.s32 $0xFFFF8000  }
0x8e: {  	[hbm4b:s10+s3] =	stream.linear.scatter [tilespmem:s8], [sflag:$0x4], $0x8000, $0x38;
	[tilespmem:$0x10800] =	vst v63  }
0x8f: {  	_ =	swait.ge [sflag:s7], $0x8000  }
0x90: {  	[sflag:s7] =	ssyncset.done $0x0  }
0x91: {  	[sflag:s7] =	ssyncadd.s32 $0xFFFF8000  }
0x92: {  	[tilespmem:s8], [sflag:$0x2] =	stream.indirect.gather [hbm4b:s2+s11], $0x800, s14, s11, $0xb8;
	[tilespmem:$0x10800] =	vst v63  }
0x93: {  	_ =	swait.ge [sflag:s13], $0x8000  }
0x94: {  	[sflag:s13] =	ssyncset.done $0x0  }
0x95: {  	[sflag:s13] =	ssyncadd.s32 $0xFFFF8000  }
0x96: {  	[hbm4b:s5+s3] =	stream.linear.scatter [tilespmem:s9], [sflag:$0x3], $0x8000, $0x38;
	[tilespmem:$0x10800] =	vst v63  }
0x97: {  	_ =	swait.ge [sflag:s12], $0x8000  }
0x98: {  	[sflag:s12] =	ssyncset.done $0x0  }
0x99: {  	p1 =	sne.s32 s1, $0x1;
	[sflag:s12] =	ssyncadd.s32 $0xFFFF8000  }
0x9a: {  	[hbm4b:s4+s3] =	stream.linear.scatter [tilespmem:s8], [sflag:$0x4], $0x8000, $0x38;
	[tilespmem:$0x10800] =	vst v63  }
.Ltmp1:
0x9b: {  	_ =	swait.ge [sflag:s6], $0x8000;
	(pc) =	sbr.rel @!p1 .LBB2_3-.Ltmp1, $4  }
0x9c: {  	[sflag:s6] =	ssyncset.done $0x0  }
0x9d: {  	[sflag:s6] =	ssyncadd.s32 $0xFFFF8000  }
0x9e: {  	_ =	swait.ge [sflag:s7], $0x8000  }
0x9f: {  	s1 =	sadd.s32 $0xFFFFFFFF, s1;
	p0 =	por $0x1, $0x1;
	[sflag:s7] =	ssyncset.done $0x0  }
.LBB2_2:
0xa0: {  	s0 =	rddreg [dreg:$0x4];
	[sflag:s7] =	ssyncadd.s32 $0xFFFF8000  }
0xa1: {  	[tilespmem:s3], [sflag:$0x5] =	stream.linear.gather [hbm4b:s0+s3], $0x800, $0x38;
	[tilespmem:$0x10800] =	vst v63  }
0xa2: {  	_ =	swait.ge [sflag:s30], $0x800  }
0xa3: {  	[sflag:s30] =	ssyncset.done $0x0  }
0xa4: {  	[sflag:s30] =	ssyncadd.s32 $0xFFFFF800  }
0xa5: {  	[tilespmem:s9], [sflag:$0x1] =	stream.indirect.gather [hbm4b:s2+s11], $0x800, s3, s11, $0xb8;
	[tilespmem:$0x10800] =	vst v63  }
0xa6: {  	_ = 	snop  }
0xa7: {  	[tilespmem:s8], [sflag:$0x2] =	stream.indirect.gather [hbm4b:s2+s11], $0x800, s31, s11, $0xb8;
	[tilespmem:$0x10800] =	vst v63  }
0xa8: {  	_ =	swait.ge [sflag:s13], $0x8000  }
0xa9: {  	[sflag:s13] =	ssyncset.done $0x0  }
0xaa: {  	[sflag:s13] =	ssyncadd.s32 $0xFFFF8000  }
0xab: {  	[hbm4b:s23+s3] =	stream.linear.scatter [tilespmem:s9], [sflag:$0x3], $0x8000, $0x38;
	[tilespmem:$0x10800] =	vst v63  }
0xac: {  	_ =	swait.ge [sflag:s6], $0x8000  }
0xad: {  	[sflag:s6] =	ssyncset.done $0x0  }
0xae: {  	[sflag:s6] =	ssyncadd.s32 $0xFFFF8000  }
0xaf: {  	[tilespmem:s9], [sflag:$0x1] =	stream.indirect.gather [hbm4b:s2+s11], $0x800, s29, s11, $0xb8;
	[tilespmem:$0x10800] =	vst v63  }
0xb0: {  	_ =	swait.ge [sflag:s12], $0x8000  }
0xb1: {  	[sflag:s12] =	ssyncset.done $0x0  }
0xb2: {  	s0 =	rddreg [dreg:$0x5];
	[sflag:s12] =	ssyncadd.s32 $0xFFFF8000  }
0xb3: {  	[hbm4b:s0+s3] =	stream.linear.scatter [tilespmem:s8], [sflag:$0x4], $0x8000, $0x38;
	[tilespmem:$0x10800] =	vst v63  }
0xb4: {  	_ =	swait.ge [sflag:s7], $0x8000  }
0xb5: {  	[sflag:s7] =	ssyncset.done $0x0  }
0xb6: {  	[sflag:s7] =	ssyncadd.s32 $0xFFFF8000  }
0xb7: {  	[tilespmem:s8], [sflag:$0x2] =	stream.indirect.gather [hbm4b:s2+s11], $0x800, s28, s11, $0xb8;
	[tilespmem:$0x10800] =	vst v63  }
0xb8: {  	_ =	swait.ge [sflag:s13], $0x8000  }
0xb9: {  	[sflag:s13] =	ssyncset.done $0x0  }
0xba: {  	s0 =	rddreg [dreg:$0x6];
	[sflag:s13] =	ssyncadd.s32 $0xFFFF8000  }
0xbb: {  	[hbm4b:s0+s3] =	stream.linear.scatter [tilespmem:s9], [sflag:$0x3], $0x8000, $0x38;
	[tilespmem:$0x10800] =	vst v63  }
0xbc: {  	_ =	swait.ge [sflag:s6], $0x8000  }
0xbd: {  	[sflag:s6] =	ssyncset.done $0x0  }
0xbe: {  	[sflag:s6] =	ssyncadd.s32 $0xFFFF8000  }
0xbf: {  	[tilespmem:s9], [sflag:$0x1] =	stream.indirect.gather [hbm4b:s2+s11], $0x800, s26, s11, $0xb8;
	[tilespmem:$0x10800] =	vst v63  }
0xc0: {  	_ =	swait.ge [sflag:s12], $0x8000  }
0xc1: {  	[sflag:s12] =	ssyncset.done $0x0  }
0xc2: {  	s0 =	rddreg [dreg:$0x7];
	[sflag:s12] =	ssyncadd.s32 $0xFFFF8000  }
0xc3: {  	[hbm4b:s0+s3] =	stream.linear.scatter [tilespmem:s8], [sflag:$0x4], $0x8000, $0x38;
	[tilespmem:$0x10800] =	vst v63  }
0xc4: {  	_ =	swait.ge [sflag:s7], $0x8000  }
0xc5: {  	[sflag:s7] =	ssyncset.done $0x0  }
0xc6: {  	[sflag:s7] =	ssyncadd.s32 $0xFFFF8000  }
0xc7: {  	[tilespmem:s8], [sflag:$0x2] =	stream.indirect.gather [hbm4b:s2+s11], $0x800, s25, s11, $0xb8;
	[tilespmem:$0x10800] =	vst v63  }
0xc8: {  	_ =	swait.ge [sflag:s13], $0x8000  }
0xc9: {  	[sflag:s13] =	ssyncset.done $0x0  }
0xca: {  	s0 =	rddreg [dreg:$0x8];
	[sflag:s13] =	ssyncadd.s32 $0xFFFF8000  }
0xcb: {  	[hbm4b:s0+s3] =	stream.linear.scatter [tilespmem:s9], [sflag:$0x3], $0x8000, $0x38;
	[tilespmem:$0x10800] =	vst v63  }
0xcc: {  	_ =	swait.ge [sflag:s6], $0x8000  }
0xcd: {  	[sflag:s6] =	ssyncset.done $0x0  }
0xce: {  	[sflag:s6] =	ssyncadd.s32 $0xFFFF8000  }
0xcf: {  	[tilespmem:s9], [sflag:$0x1] =	stream.indirect.gather [hbm4b:s2+s11], $0x800, s24, s11, $0xb8;
	[tilespmem:$0x10800] =	vst v63  }
0xd0: {  	_ =	swait.ge [sflag:s12], $0x8000  }
0xd1: {  	[sflag:s12] =	ssyncset.done $0x0  }
0xd2: {  	s0 =	rddreg [dreg:$0x9];
	[sflag:s12] =	ssyncadd.s32 $0xFFFF8000  }
0xd3: {  	[hbm4b:s0+s3] =	stream.linear.scatter [tilespmem:s8], [sflag:$0x4], $0x8000, $0x38;
	[tilespmem:$0x10800] =	vst v63  }
0xd4: {  	_ =	swait.ge [sflag:s7], $0x8000  }
0xd5: {  	[sflag:s7] =	ssyncset.done $0x0  }
0xd6: {  	[sflag:s7] =	ssyncadd.s32 $0xFFFF8000  }
0xd7: {  	[tilespmem:s8], [sflag:$0x2] =	stream.indirect.gather [hbm4b:s2+s11], $0x800, s22, s11, $0xb8;
	[tilespmem:$0x10800] =	vst v63  }
0xd8: {  	_ =	swait.ge [sflag:s13], $0x8000  }
0xd9: {  	[sflag:s13] =	ssyncset.done $0x0  }
0xda: {  	s0 =	rddreg [dreg:$0xa];
	[sflag:s13] =	ssyncadd.s32 $0xFFFF8000  }
0xdb: {  	[hbm4b:s0+s3] =	stream.linear.scatter [tilespmem:s9], [sflag:$0x3], $0x8000, $0x38;
	[tilespmem:$0x10800] =	vst v63  }
0xdc: {  	_ =	swait.ge [sflag:s6], $0x8000  }
0xdd: {  	[sflag:s6] =	ssyncset.done $0x0  }
0xde: {  	[sflag:s6] =	ssyncadd.s32 $0xFFFF8000  }
0xdf: {  	[tilespmem:s9], [sflag:$0x1] =	stream.indirect.gather [hbm4b:s2+s11], $0x800, s21, s11, $0xb8;
	[tilespmem:$0x10800] =	vst v63  }
0xe0: {  	_ =	swait.ge [sflag:s12], $0x8000  }
0xe1: {  	[sflag:s12] =	ssyncset.done $0x0  }
0xe2: {  	s0 =	rddreg [dreg:$0xb];
	[sflag:s12] =	ssyncadd.s32 $0xFFFF8000  }
0xe3: {  	[hbm4b:s0+s3] =	stream.linear.scatter [tilespmem:s8], [sflag:$0x4], $0x8000, $0x38;
	[tilespmem:$0x10800] =	vst v63  }
0xe4: {  	_ =	swait.ge [sflag:s7], $0x8000  }
0xe5: {  	[sflag:s7] =	ssyncset.done $0x0  }
0xe6: {  	[sflag:s7] =	ssyncadd.s32 $0xFFFF8000  }
0xe7: {  	[tilespmem:s8], [sflag:$0x2] =	stream.indirect.gather [hbm4b:s2+s11], $0x800, s20, s11, $0xb8;
	[tilespmem:$0x10800] =	vst v63  }
0xe8: {  	_ =	swait.ge [sflag:s13], $0x8000  }
0xe9: {  	[sflag:s13] =	ssyncset.done $0x0  }
0xea: {  	s0 =	rddreg [dreg:$0xc];
	[sflag:s13] =	ssyncadd.s32 $0xFFFF8000  }
0xeb: {  	[hbm4b:s0+s3] =	stream.linear.scatter [tilespmem:s9], [sflag:$0x3], $0x8000, $0x38;
	[tilespmem:$0x10800] =	vst v63  }
0xec: {  	_ =	swait.ge [sflag:s6], $0x8000  }
0xed: {  	[sflag:s6] =	ssyncset.done $0x0  }
0xee: {  	[sflag:s6] =	ssyncadd.s32 $0xFFFF8000  }
0xef: {  	[tilespmem:s9], [sflag:$0x1] =	stream.indirect.gather [hbm4b:s2+s11], $0x800, s19, s11, $0xb8;
	[tilespmem:$0x10800] =	vst v63  }
0xf0: {  	_ =	swait.ge [sflag:s12], $0x8000  }
0xf1: {  	[sflag:s12] =	ssyncset.done $0x0  }
0xf2: {  	s0 =	rddreg [dreg:$0xd];
	[sflag:s12] =	ssyncadd.s32 $0xFFFF8000  }
0xf3: {  	[hbm4b:s0+s3] =	stream.linear.scatter [tilespmem:s8], [sflag:$0x4], $0x8000, $0x38;
	[tilespmem:$0x10800] =	vst v63  }
0xf4: {  	_ =	swait.ge [sflag:s7], $0x8000  }
0xf5: {  	[sflag:s7] =	ssyncset.done $0x0  }
0xf6: {  	[sflag:s7] =	ssyncadd.s32 $0xFFFF8000  }
0xf7: {  	[tilespmem:s8], [sflag:$0x2] =	stream.indirect.gather [hbm4b:s2+s11], $0x800, s18, s11, $0xb8;
	[tilespmem:$0x10800] =	vst v63  }
0xf8: {  	_ =	swait.ge [sflag:s13], $0x8000  }
0xf9: {  	[sflag:s13] =	ssyncset.done $0x0  }
0xfa: {  	s0 =	rddreg [dreg:$0xe];
	[sflag:s13] =	ssyncadd.s32 $0xFFFF8000  }
0xfb: {  	[hbm4b:s0+s3] =	stream.linear.scatter [tilespmem:s9], [sflag:$0x3], $0x8000, $0x38;
	[tilespmem:$0x10800] =	vst v63  }
0xfc: {  	_ =	swait.ge [sflag:s6], $0x8000  }
0xfd: {  	[sflag:s6] =	ssyncset.done $0x0  }
0xfe: {  	[sflag:s6] =	ssyncadd.s32 $0xFFFF8000  }
0xff: {  	[tilespmem:s9], [sflag:$0x1] =	stream.indirect.gather [hbm4b:s2+s11], $0x800, s17, s11, $0xb8;
	[tilespmem:$0x10800] =	vst v63  }
0x100: {  	_ =	swait.ge [sflag:s12], $0x8000  }
0x101: {  	[sflag:s12] =	ssyncset.done $0x0  }
0x102: {  	s0 =	rddreg [dreg:$0xf];
	[sflag:s12] =	ssyncadd.s32 $0xFFFF8000  }
0x103: {  	[hbm4b:s0+s3] =	stream.linear.scatter [tilespmem:s8], [sflag:$0x4], $0x8000, $0x38;
	[tilespmem:$0x10800] =	vst v63  }
0x104: {  	_ =	swait.ge [sflag:s7], $0x8000  }
0x105: {  	[sflag:s7] =	ssyncset.done $0x0  }
0x106: {  	[sflag:s7] =	ssyncadd.s32 $0xFFFF8000  }
0x107: {  	[tilespmem:s8], [sflag:$0x2] =	stream.indirect.gather [hbm4b:s2+s11], $0x800, s16, s11, $0xb8;
	[tilespmem:$0x10800] =	vst v63  }
0x108: {  	_ =	swait.ge [sflag:s13], $0x8000  }
0x109: {  	[sflag:s13] =	ssyncset.done $0x0  }
0x10a: {  	s0 =	rddreg [dreg:$0x10];
	[sflag:s13] =	ssyncadd.s32 $0xFFFF8000  }
0x10b: {  	[hbm4b:s0+s3] =	stream.linear.scatter [tilespmem:s9], [sflag:$0x3], $0x8000, $0x38;
	[tilespmem:$0x10800] =	vst v63  }
0x10c: {  	_ =	swait.ge [sflag:s6], $0x8000  }
0x10d: {  	[sflag:s6] =	ssyncset.done $0x0  }
0x10e: {  	[sflag:s6] =	ssyncadd.s32 $0xFFFF8000  }
0x10f: {  	[tilespmem:s9], [sflag:$0x1] =	stream.indirect.gather [hbm4b:s2+s11], $0x800, s15, s11, $0xb8;
	[tilespmem:$0x10800] =	vst v63  }
0x110: {  	_ =	swait.ge [sflag:s12], $0x8000  }
0x111: {  	[sflag:s12] =	ssyncset.done $0x0  }
0x112: {  	[sflag:s12] =	ssyncadd.s32 $0xFFFF8000  }
0x113: {  	[hbm4b:s10+s3] =	stream.linear.scatter [tilespmem:s8], [sflag:$0x4], $0x8000, $0x38;
	[tilespmem:$0x10800] =	vst v63  }
0x114: {  	_ =	swait.ge [sflag:s7], $0x8000  }
0x115: {  	[sflag:s7] =	ssyncset.done $0x0  }
0x116: {  	[sflag:s7] =	ssyncadd.s32 $0xFFFF8000  }
0x117: {  	[tilespmem:s8], [sflag:$0x2] =	stream.indirect.gather [hbm4b:s2+s11], $0x800, s14, s11, $0xb8;
	[tilespmem:$0x10800] =	vst v63  }
0x118: {  	_ =	swait.ge [sflag:s13], $0x8000  }
0x119: {  	[sflag:s13] =	ssyncset.done $0x0  }
0x11a: {  	[sflag:s13] =	ssyncadd.s32 $0xFFFF8000  }
0x11b: {  	[hbm4b:s5+s3] =	stream.linear.scatter [tilespmem:s9], [sflag:$0x3], $0x8000, $0x38;
	[tilespmem:$0x10800] =	vst v63  }
0x11c: {  	_ =	swait.ge [sflag:s12], $0x8000  }
0x11d: {  	[sflag:s12] =	ssyncset.done $0x0  }
0x11e: {  	p1 =	sne.s32 s1, $0x1;
	[sflag:s12] =	ssyncadd.s32 $0xFFFF8000  }
0x11f: {  	[hbm4b:s4+s3] =	stream.linear.scatter [tilespmem:s8], [sflag:$0x4], $0x8000, $0x38;
	[tilespmem:$0x10800] =	vst v63  }
.Ltmp2:
0x120: {  	_ =	swait.ge [sflag:s6], $0x8000;
	(pc) =	sbr.rel @p1 .LBB2_2-.Ltmp2, $4  }
0x121: {  	[sflag:s6] =	ssyncset.done $0x0  }
0x122: {  	[sflag:s6] =	ssyncadd.s32 $0xFFFF8000  }
0x123: {  	_ =	swait.ge [sflag:s7], $0x8000  }
0x124: {  	s1 =	sadd.s32 $0xFFFFFFFF, s1;
	[sflag:s7] =	ssyncset.done $0x0  }
.LBB2_3:
0x125: {  	s0 =	rddreg [dreg:$0x4];
	[sflag:s7] =	ssyncadd.s32 @p0 $0xFFFF8000  }
0x126: {  	[tilespmem:s3], [sflag:$0x5] =	stream.linear.gather [hbm4b:s0+s3], $0x800, $0x38;
	[tilespmem:$0x10800] =	vst v63  }
0x127: {  	_ =	swait.ge [sflag:s30], $0x800  }
0x128: {  	[sflag:s30] =	ssyncset.done $0x0  }
0x129: {  	[sflag:s30] =	ssyncadd.s32 $0xFFFFF800  }
0x12a: {  	[tilespmem:s9], [sflag:$0x1] =	stream.indirect.gather [hbm4b:s2+s11], $0x800, s3, s11, $0xb8;
	[tilespmem:$0x10800] =	vst v63  }
0x12b: {  	_ = 	snop  }
0x12c: {  	[tilespmem:s8], [sflag:$0x2] =	stream.indirect.gather [hbm4b:s2+s11], $0x800, s31, s11, $0xb8;
	[tilespmem:$0x10800] =	vst v63  }
0x12d: {  	_ =	swait.ge [sflag:s13], $0x8000  }
0x12e: {  	[sflag:s13] =	ssyncset.done $0x0  }
0x12f: {  	[sflag:s13] =	ssyncadd.s32 $0xFFFF8000  }
0x130: {  	[hbm4b:s23+s3] =	stream.linear.scatter [tilespmem:s9], [sflag:$0x3], $0x8000, $0x38;
	[tilespmem:$0x10800] =	vst v63  }
0x131: {  	_ =	swait.ge [sflag:s6], $0x8000  }
0x132: {  	[sflag:s6] =	ssyncset.done $0x0  }
0x133: {  	[sflag:s6] =	ssyncadd.s32 $0xFFFF8000  }
0x134: {  	[tilespmem:s9], [sflag:$0x1] =	stream.indirect.gather [hbm4b:s2+s11], $0x800, s29, s11, $0xb8;
	[tilespmem:$0x10800] =	vst v63  }
0x135: {  	_ =	swait.ge [sflag:s12], $0x8000  }
0x136: {  	[sflag:s12] =	ssyncset.done $0x0  }
0x137: {  	s23 =	rddreg [dreg:$0x5];
	[sflag:s12] =	ssyncadd.s32 $0xFFFF8000  }
0x138: {  	[hbm4b:s23+s3] =	stream.linear.scatter [tilespmem:s8], [sflag:$0x4], $0x8000, $0x38;
	[tilespmem:$0x10800] =	vst v63  }
0x139: {  	_ =	swait.ge [sflag:s7], $0x8000  }
0x13a: {  	[sflag:s7] =	ssyncset.done $0x0  }
0x13b: {  	[sflag:s7] =	ssyncadd.s32 $0xFFFF8000  }
0x13c: {  	[tilespmem:s8], [sflag:$0x2] =	stream.indirect.gather [hbm4b:s2+s11], $0x800, s28, s11, $0xb8;
	[tilespmem:$0x10800] =	vst v63  }
0x13d: {  	_ =	swait.ge [sflag:s13], $0x8000  }
0x13e: {  	[sflag:s13] =	ssyncset.done $0x0  }
0x13f: {  	s29 =	rddreg [dreg:$0x6];
	[sflag:s13] =	ssyncadd.s32 $0xFFFF8000  }
0x140: {  	[hbm4b:s29+s3] =	stream.linear.scatter [tilespmem:s9], [sflag:$0x3], $0x8000, $0x38;
	[tilespmem:$0x10800] =	vst v63  }
0x141: {  	_ =	swait.ge [sflag:s6], $0x8000  }
0x142: {  	[sflag:s6] =	ssyncset.done $0x0  }
0x143: {  	[sflag:s6] =	ssyncadd.s32 $0xFFFF8000  }
0x144: {  	[tilespmem:s9], [sflag:$0x1] =	stream.indirect.gather [hbm4b:s2+s11], $0x800, s26, s11, $0xb8;
	[tilespmem:$0x10800] =	vst v63  }
0x145: {  	_ =	swait.ge [sflag:s12], $0x8000  }
0x146: {  	[sflag:s12] =	ssyncset.done $0x0  }
0x147: {  	s30 =	rddreg [dreg:$0x7];
	[sflag:s12] =	ssyncadd.s32 $0xFFFF8000  }
0x148: {  	[hbm4b:s30+s3] =	stream.linear.scatter [tilespmem:s8], [sflag:$0x4], $0x8000, $0x38;
	[tilespmem:$0x10800] =	vst v63  }
0x149: {  	_ =	swait.ge [sflag:s7], $0x8000  }
0x14a: {  	[sflag:s7] =	ssyncset.done $0x0  }
0x14b: {  	[sflag:s7] =	ssyncadd.s32 $0xFFFF8000  }
0x14c: {  	[tilespmem:s8], [sflag:$0x2] =	stream.indirect.gather [hbm4b:s2+s11], $0x800, s25, s11, $0xb8;
	[tilespmem:$0x10800] =	vst v63  }
0x14d: {  	_ =	swait.ge [sflag:s13], $0x8000  }
0x14e: {  	[sflag:s13] =	ssyncset.done $0x0  }
0x14f: {  	s31 =	rddreg [dreg:$0x8];
	[sflag:s13] =	ssyncadd.s32 $0xFFFF8000  }
0x150: {  	[hbm4b:s31+s3] =	stream.linear.scatter [tilespmem:s9], [sflag:$0x3], $0x8000, $0x38;
	[tilespmem:$0x10800] =	vst v63  }
0x151: {  	_ =	swait.ge [sflag:s6], $0x8000  }
0x152: {  	[sflag:s6] =	ssyncset.done $0x0  }
0x153: {  	[sflag:s6] =	ssyncadd.s32 $0xFFFF8000  }
0x154: {  	[tilespmem:s9], [sflag:$0x1] =	stream.indirect.gather [hbm4b:s2+s11], $0x800, s24, s11, $0xb8;
	[tilespmem:$0x10800] =	vst v63  }
0x155: {  	_ =	swait.ge [sflag:s12], $0x8000  }
0x156: {  	[sflag:s12] =	ssyncset.done $0x0  }
0x157: {  	s1 =	rddreg [dreg:$0x9];
	[sflag:s12] =	ssyncadd.s32 $0xFFFF8000  }
0x158: {  	[hbm4b:s1+s3] =	stream.linear.scatter [tilespmem:s8], [sflag:$0x4], $0x8000, $0x38;
	[tilespmem:$0x10800] =	vst v63  }
0x159: {  	_ =	swait.ge [sflag:s7], $0x8000  }
0x15a: {  	[sflag:s7] =	ssyncset.done $0x0  }
0x15b: {  	[sflag:s7] =	ssyncadd.s32 $0xFFFF8000  }
0x15c: {  	[tilespmem:s8], [sflag:$0x2] =	stream.indirect.gather [hbm4b:s2+s11], $0x800, s22, s11, $0xb8;
	[tilespmem:$0x10800] =	vst v63  }
0x15d: {  	_ =	swait.ge [sflag:s13], $0x8000  }
0x15e: {  	[sflag:s13] =	ssyncset.done $0x0  }
0x15f: {  	s23 =	rddreg [dreg:$0xa];
	[sflag:s13] =	ssyncadd.s32 $0xFFFF8000  }
0x160: {  	[hbm4b:s23+s3] =	stream.linear.scatter [tilespmem:s9], [sflag:$0x3], $0x8000, $0x38;
	[tilespmem:$0x10800] =	vst v63  }
0x161: {  	_ =	swait.ge [sflag:s6], $0x8000  }
0x162: {  	[sflag:s6] =	ssyncset.done $0x0  }
0x163: {  	[sflag:s6] =	ssyncadd.s32 $0xFFFF8000  }
0x164: {  	[tilespmem:s9], [sflag:$0x1] =	stream.indirect.gather [hbm4b:s2+s11], $0x800, s21, s11, $0xb8;
	[tilespmem:$0x10800] =	vst v63  }
0x165: {  	_ =	swait.ge [sflag:s12], $0x8000  }
0x166: {  	[sflag:s12] =	ssyncset.done $0x0  }
0x167: {  	s24 =	rddreg [dreg:$0xb];
	[sflag:s12] =	ssyncadd.s32 $0xFFFF8000  }
0x168: {  	[hbm4b:s24+s3] =	stream.linear.scatter [tilespmem:s8], [sflag:$0x4], $0x8000, $0x38;
	[tilespmem:$0x10800] =	vst v63  }
0x169: {  	_ =	swait.ge [sflag:s7], $0x8000  }
0x16a: {  	[sflag:s7] =	ssyncset.done $0x0  }
0x16b: {  	[sflag:s7] =	ssyncadd.s32 $0xFFFF8000  }
0x16c: {  	[tilespmem:s8], [sflag:$0x2] =	stream.indirect.gather [hbm4b:s2+s11], $0x800, s20, s11, $0xb8;
	[tilespmem:$0x10800] =	vst v63  }
0x16d: {  	_ =	swait.ge [sflag:s13], $0x8000  }
0x16e: {  	[sflag:s13] =	ssyncset.done $0x0  }
0x16f: {  	s25 =	rddreg [dreg:$0xc];
	[sflag:s13] =	ssyncadd.s32 $0xFFFF8000  }
0x170: {  	[hbm4b:s25+s3] =	stream.linear.scatter [tilespmem:s9], [sflag:$0x3], $0x8000, $0x38;
	[tilespmem:$0x10800] =	vst v63  }
0x171: {  	_ =	swait.ge [sflag:s6], $0x8000  }
0x172: {  	[sflag:s6] =	ssyncset.done $0x0  }
0x173: {  	[sflag:s6] =	ssyncadd.s32 $0xFFFF8000  }
0x174: {  	[tilespmem:s9], [sflag:$0x1] =	stream.indirect.gather [hbm4b:s2+s11], $0x800, s19, s11, $0xb8;
	[tilespmem:$0x10800] =	vst v63  }
0x175: {  	_ =	swait.ge [sflag:s12], $0x8000  }
0x176: {  	[sflag:s12] =	ssyncset.done $0x0  }
0x177: {  	s26 =	rddreg [dreg:$0xd];
	[sflag:s12] =	ssyncadd.s32 $0xFFFF8000  }
0x178: {  	[hbm4b:s26+s3] =	stream.linear.scatter [tilespmem:s8], [sflag:$0x4], $0x8000, $0x38;
	[tilespmem:$0x10800] =	vst v63  }
0x179: {  	_ =	swait.ge [sflag:s7], $0x8000  }
0x17a: {  	[sflag:s7] =	ssyncset.done $0x0  }
0x17b: {  	[sflag:s7] =	ssyncadd.s32 $0xFFFF8000  }
0x17c: {  	[tilespmem:s8], [sflag:$0x2] =	stream.indirect.gather [hbm4b:s2+s11], $0x800, s18, s11, $0xb8;
	[tilespmem:$0x10800] =	vst v63  }
0x17d: {  	_ =	swait.ge [sflag:s13], $0x8000  }
0x17e: {  	[sflag:s13] =	ssyncset.done $0x0  }
0x17f: {  	s28 =	rddreg [dreg:$0xe];
	[sflag:s13] =	ssyncadd.s32 $0xFFFF8000  }
0x180: {  	[hbm4b:s28+s3] =	stream.linear.scatter [tilespmem:s9], [sflag:$0x3], $0x8000, $0x38;
	[tilespmem:$0x10800] =	vst v63  }
0x181: {  	_ =	swait.ge [sflag:s6], $0x8000  }
0x182: {  	[sflag:s6] =	ssyncset.done $0x0  }
0x183: {  	[sflag:s6] =	ssyncadd.s32 $0xFFFF8000  }
0x184: {  	[tilespmem:s9], [sflag:$0x1] =	stream.indirect.gather [hbm4b:s2+s11], $0x800, s17, s11, $0xb8;
	[tilespmem:$0x10800] =	vst v63  }
0x185: {  	_ =	swait.ge [sflag:s12], $0x8000  }
0x186: {  	[sflag:s12] =	ssyncset.done $0x0  }
0x187: {  	s29 =	rddreg [dreg:$0xf];
	[sflag:s12] =	ssyncadd.s32 $0xFFFF8000  }
0x188: {  	[hbm4b:s29+s3] =	stream.linear.scatter [tilespmem:s8], [sflag:$0x4], $0x8000, $0x38;
	[tilespmem:$0x10800] =	vst v63  }
0x189: {  	_ =	swait.ge [sflag:s7], $0x8000  }
0x18a: {  	[sflag:s7] =	ssyncset.done $0x0  }
0x18b: {  	[sflag:s7] =	ssyncadd.s32 $0xFFFF8000  }
0x18c: {  	[tilespmem:s8], [sflag:$0x2] =	stream.indirect.gather [hbm4b:s2+s11], $0x800, s16, s11, $0xb8;
	[tilespmem:$0x10800] =	vst v63  }
0x18d: {  	_ =	swait.ge [sflag:s13], $0x8000  }
0x18e: {  	[sflag:s13] =	ssyncset.done $0x0  }
0x18f: {  	s30 =	rddreg [dreg:$0x10];
	[sflag:s13] =	ssyncadd.s32 $0xFFFF8000  }
0x190: {  	[hbm4b:s30+s3] =	stream.linear.scatter [tilespmem:s9], [sflag:$0x3], $0x8000, $0x38;
	[tilespmem:$0x10800] =	vst v63  }
0x191: {  	_ =	swait.ge [sflag:s6], $0x8000  }
0x192: {  	[sflag:s6] =	ssyncset.done $0x0  }
0x193: {  	[sflag:s6] =	ssyncadd.s32 $0xFFFF8000  }
0x194: {  	[tilespmem:s9], [sflag:$0x1] =	stream.indirect.gather [hbm4b:s2+s11], $0x800, s15, s11, $0xb8;
	[tilespmem:$0x10800] =	vst v63  }
0x195: {  	_ =	swait.ge [sflag:s12], $0x8000  }
0x196: {  	[sflag:s12] =	ssyncset.done $0x0  }
0x197: {  	[sflag:s12] =	ssyncadd.s32 $0xFFFF8000  }
0x198: {  	[hbm4b:s10+s3] =	stream.linear.scatter [tilespmem:s8], [sflag:$0x4], $0x8000, $0x38;
	[tilespmem:$0x10800] =	vst v63  }
0x199: {  	_ =	swait.ge [sflag:s7], $0x8000  }
0x19a: {  	[sflag:s7] =	ssyncset.done $0x0  }
0x19b: {  	[sflag:s7] =	ssyncadd.s32 $0xFFFF8000  }
0x19c: {  	[tilespmem:s8], [sflag:$0x2] =	stream.indirect.gather [hbm4b:s2+s11], $0x800, s14, s11, $0xb8;
	[tilespmem:$0x10800] =	vst v63  }
0x19d: {  	_ =	swait.ge [sflag:s13], $0x8000  }
0x19e: {  	[sflag:s13] =	ssyncset.done $0x0  }
0x19f: {  	[sflag:s13] =	ssyncadd.s32 $0xFFFF8000  }
0x1a0: {  	[hbm4b:s5+s3] =	stream.linear.scatter [tilespmem:s9], [sflag:$0x3], $0x8000, $0x38;
	[tilespmem:$0x10800] =	vst v63  }
0x1a1: {  	_ =	swait.ge [sflag:s12], $0x8000  }
0x1a2: {  	[sflag:s12] =	ssyncset.done $0x0  }
0x1a3: {  	[sflag:s12] =	ssyncadd.s32 $0xFFFF8000  }
0x1a4: {  	[hbm4b:s4+s3] =	stream.linear.scatter [tilespmem:s8], [sflag:$0x4], $0x8000, $0x38;
	[tilespmem:$0x10800] =	vst v63  }
0x1a5: {  	_ =	swait.ge [sflag:s6], $0x8000  }
0x1a6: {  	[sflag:s6] =	ssyncset.done $0x0  }
0x1a7: {  	[sflag:s6] =	ssyncadd.s32 $0xFFFF8000  }
0x1a8: {  	_ =	swait.ge [sflag:s7], $0x8000  }
0x1a9: {  	[sflag:s7] =	ssyncset.done $0x0  }
0x1aa: {  	[sflag:s7] =	ssyncadd.s32 $0xFFFF8000  }
0x1ab: {  	_ =	sfence.sel $0x180000  }
0x1ac: {  	[bflag:$0x0] =	sbarrier.arrive $0xFFFF  }
0x1ad: {  	_ =	strace $0x90000047  }
0x1ae: {  	s31 =	stileid.u32;
	[bflag:$0x2] =	sbarrier.arrive $0xFFFF  }
0x1af: {  	p0 =	sne.s32 s31, $0x0;
	s0 =	rddreg [dreg:$0x3]  }
0x1b0: {  	s0 =	sadd.s32 @!p0 $0x100000, s0  }
0x1b1: {  	[sflag:s0] =	ssyncadd.tile.s32 @!p0 $0x1;
	_ =	shalt  }
.Lfunc_end2:
_tile_overlayer_lowered:
.L_overlay_start_2:
0x1b2: {  	(tag) =	ssettag $0x2  }
0x1b3: {  	s0 =	rddreg [dreg:$0x0];
	s2 =	stileid.u32  }
0x1b4: {  	s1 =	rddreg [dreg:$0x1];
	p0 =	sne.s32 s2, $0x0  }
0x1b5: {  	s3 =	rddreg [dreg:$0x2];
	[bflag:$0x3] =	sbarrier.arrive $0xFFFF;
	s2 =	simm.s32 @!p0 $0x1C05  }
0x1b6: {  	[timem:s3], [sflag:s2] =	dma.local @!p0 [hbm:s0], s1  }
0x1b7: {  	s0 =	simm.s32 @!p0 $0x5  }
0x1b8: {  	_ =	swait.ge @!p0 [sflag:s0], s1  }
0x1b9: {  	s1 =	ssub.s32 @!p0 $0x0, s1;
	[sflag:s0] =	ssyncset.done @!p0 $0x0  }
0x1ba: {  	[sflag:s0] =	ssyncadd.s32 @!p0 s1  }
0x1bb: {  	[bflag:$0x3] =	sbarrier.arrive $0xFFFF  }
0x1bc: {  	_ =	shalt  }

</sc_bundles>
